<compile_context>
chip_gen: v7x
topology: tpu7x:2x2x1
jax: 0.10.2.dev20260603
libtpu: 0.0.44.dev20260713+nightly
codegen_flags: <defaults>
</compile_context>

<pallas_src>
import functools

import jax
import jax.numpy as jnp
from jax import lax
from jax.experimental import pallas as pl
from jax.experimental.pallas import tpu as pltpu
from jax.experimental.pallas import tpu_sc as plsc

RB = 16
NW = 32
_NC = 2


def _make_meta_body(mt, e_num):
    def body(idc_ref, idr_ref, meta_ref, dst_ref):
        idc = idc_ref[...]
        idr = idr_ref[...]
        e_col = lax.broadcasted_iota(jnp.int32, (e_num, mt), 0)
        eq_e = (e_col == idr).astype(jnp.float32)
        counts = jnp.sum(eq_e, axis=1, keepdims=True)
        nblk = jnp.ceil(counts * (1.0 / RB))
        tril_e = (lax.broadcasted_iota(jnp.int32, (e_num, e_num), 0) >
                  lax.broadcasted_iota(jnp.int32, (e_num, e_num), 1)
                  ).astype(jnp.float32)
        astart = RB * lax.dot_general(
            tril_e, nblk, (((1,), (0,)), ((), ())),
            preferred_element_type=jnp.float32)
        tril_t = (lax.broadcasted_iota(jnp.int32, (mt, mt), 0) >
                  lax.broadcasted_iota(jnp.int32, (mt, mt), 1)
                  ).astype(jnp.float32)
        eq_t = (idc == idr).astype(jnp.float32)
        rank = jnp.sum(eq_t * tril_t, axis=1, keepdims=True)
        oh = (idc == lax.broadcasted_iota(jnp.int32, (mt, e_num), 1)
              ).astype(jnp.float32)
        a_tok = lax.dot_general(oh, astart, (((1,), (0,)), ((), ())),
                                preferred_element_type=jnp.float32)
        dst_ref[...] = (a_tok + rank + 0.5).astype(jnp.int32)
        meta_ref[...] = (jnp.concatenate([astart, nblk], axis=0)
                         + 0.5).astype(jnp.int32)
    return body


def _make_tc_body(e_num, epg):
    def body(meta_ref, x_ref, w1_ref, w2_ref, wrow_ref, out_ref):
        p = pl.program_id(0)
        for j in range(epg):
            e = epg * p + j
            a = meta_ref[e]
            nblk = meta_ref[e_num + e]

            @pl.when(nblk > 0)
            def _():
                def blk(i, _):
                    r0 = pl.multiple_of(a + i * RB, RB)
                    x = x_ref[pl.ds(r0, RB), :]
                    h = lax.dot_general(x, w1_ref[j],
                                        (((1,), (1,)), ((), ())),
                                        preferred_element_type=jnp.float32)
                    dff = h.shape[1] // 2
                    g = h[:, :dff]
                    act = (g / (1.0 + jnp.exp(-g))) * h[:, dff:]
                    y = lax.dot_general(act, w2_ref[j],
                                        (((1,), (1,)), ((), ())),
                                        preferred_element_type=jnp.float32)
                    out_ref[pl.ds(r0, RB), :] = (
                        y * wrow_ref[pl.ds(r0, RB), 0:1])
                    return 0

                lax.fori_loop(0, nblk, blk, 0)

    return body


def _make_sc_pack(m, d, p_rows):
    assert m % NW == 0
    bpw = m // NW
    mesh = plsc.VectorSubcoreMesh(core_axis_name="c", subcore_axis_name="s")

    @functools.partial(
        pl.kernel, mesh=mesh,
        out_type=[jax.ShapeDtypeStruct((p_rows, d), jnp.float32),
                  jax.ShapeDtypeStruct((p_rows, 128), jnp.float32)],
        scratch_types=[
            pltpu.VMEM((bpw, d), jnp.float32),
            pltpu.VMEM((bpw, 128), jnp.float32),
            pltpu.VMEM((bpw,), jnp.int32),
            pltpu.SemaphoreType.DMA,
        ],
    )
    def pack(x_hbm, dst_hbm, wpad_hbm, xp_hbm, wp_hbm,
             rows_v, wrows_v, idx_v, sem):
        wid = lax.axis_index("s") * _NC + lax.axis_index("c")
        base = wid * bpw
        pltpu.sync_copy(x_hbm.at[pl.ds(base, bpw)], rows_v)
        pltpu.sync_copy(wpad_hbm.at[pl.ds(base, bpw)], wrows_v)
        pltpu.sync_copy(dst_hbm.at[wid], idx_v)
        h1 = pltpu.async_copy(rows_v, xp_hbm.at[idx_v], sem)
        h2 = pltpu.async_copy(wrows_v, wp_hbm.at[idx_v], sem)
        h1.wait()
        h2.wait()

    return pack


def _make_sc_gather(d, b_rows, n_streams):
    assert d % 16 == 0 and b_rows % (8 * NW) == 0
    bpw = b_rows // NW
    assert bpw % n_streams == 0 and (bpw // n_streams) % 8 == 0
    seg = bpw // n_streams
    mesh = plsc.VectorSubcoreMesh(core_axis_name="c", subcore_axis_name="s")

    @functools.partial(
        pl.kernel, mesh=mesh,
        out_type=jax.ShapeDtypeStruct((b_rows, d), jnp.float32),
        scratch_types=[
            pltpu.VMEM((bpw,), jnp.int32),
            pltpu.VMEM((bpw, d), jnp.float32),
            pltpu.SemaphoreType.DMA,
        ],
    )
    def gather(table_hbm, idx_hbm, out_hbm, idx_v, rows_v, sem):
        wid = lax.axis_index("s") * _NC + lax.axis_index("c")
        base = wid * bpw
        pltpu.sync_copy(idx_hbm.at[pl.ds(base, bpw)], idx_v)
        handles = [
            pltpu.async_copy(
                table_hbm.at[idx_v.at[pl.ds(t * seg, seg)]],
                rows_v.at[pl.ds(t * seg, seg)], sem)
            for t in range(n_streams)
        ]
        for h in handles:
            h.wait()
        pltpu.sync_copy(rows_v, out_hbm.at[pl.ds(base, bpw)])

    return gather


def kernel(hidden_states, w1, w2, topk_weights, topk_ids):
    m, k_dim = hidden_states.shape
    e_num, n_dim, _ = w1.shape
    dff = n_dim // 2
    topk = topk_ids.shape[1]
    mt = m * topk

    p_rows = ((mt + e_num * (RB - 1) + 8 * NW - 1) // (8 * NW)) * (8 * NW)

    flat_ids = topk_ids.reshape(-1).astype(jnp.int32)
    flat_w = topk_weights.reshape(-1)

    meta2d, dst2d = pl.pallas_call(
        _make_meta_body(mt, e_num),
        grid=(1,),
        in_specs=[
            pl.BlockSpec((mt, 1), lambda i: (0, 0)),
            pl.BlockSpec((1, mt), lambda i: (0, 0)),
        ],
        out_specs=[
            pl.BlockSpec((2 * e_num, 1), lambda i: (0, 0)),
            pl.BlockSpec((mt, 1), lambda i: (0, 0)),
        ],
        out_shape=[
            jax.ShapeDtypeStruct((2 * e_num, 1), jnp.int32),
            jax.ShapeDtypeStruct((mt, 1), jnp.int32),
        ],
    )(flat_ids.reshape(mt, 1), flat_ids.reshape(1, mt))
    meta = meta2d.reshape(2 * e_num)
    dst = dst2d.reshape(mt)
    wpad = jnp.broadcast_to(flat_w[:, None], (mt, 128))

    x_padded, wrow_padded = _make_sc_pack(mt, k_dim, p_rows)(
        hidden_states, dst.reshape(NW, mt // NW), wpad)

    epg = 2
    assert e_num % epg == 0
    grid_spec = pltpu.PrefetchScalarGridSpec(
        num_scalar_prefetch=1,
        grid=(e_num // epg,),
        in_specs=[
            pl.BlockSpec((p_rows, k_dim), lambda e, mr: (0, 0)),
            pl.BlockSpec((epg, n_dim, k_dim), lambda e, mr: (e, 0, 0)),
            pl.BlockSpec((epg, k_dim, dff), lambda e, mr: (e, 0, 0)),
            pl.BlockSpec((p_rows, 128), lambda e, mr: (0, 0)),
        ],
        out_specs=pl.BlockSpec((p_rows, k_dim), lambda e, mr: (0, 0)),
    )
    y_padded = pl.pallas_call(
        _make_tc_body(e_num, epg),
        grid_spec=grid_spec,
        out_shape=jax.ShapeDtypeStruct((p_rows, k_dim), jnp.float32),
    )(meta, x_padded, w1, w2, wrow_padded)

    out = _make_sc_gather(k_dim, mt, 2)(y_padded, dst)
    return out

# --- scband reference (transcript-rebuilt; emitter-appended) ---
"""Pipeline reference for scband-fused-moe-4587025072789 (READ-ONLY COPY).

The authoritative reference and input builder live on the scoring server;
editing this copy changes nothing except your own understanding.
"""

import jax, jax.numpy as jnp
import numpy as np

M, D_MODEL, E, N, TOPK = 512, 768, 64, 1536, 1

def setup_inputs(seed: int = 0) -> dict:
    key = jax.random.key(seed)
    k1, k2, k3, k4, k5 = jax.random.split(key, 5)
    hidden_states = jax.random.normal(k1, (M, D_MODEL), dtype=jnp.float32)
    w1 = jax.random.normal(k2, (E, N, D_MODEL), dtype=jnp.float32) * 0.02
    w2 = jax.random.normal(k3, (E, D_MODEL, N // 2), dtype=jnp.float32) * 0.02
    topk_weights = jax.random.uniform(k4, (M, TOPK), dtype=jnp.float32)
    topk_ids = jax.random.randint(k5, (M, TOPK), 0, E, dtype=jnp.int32)
    return {"hidden_states": hidden_states, "w1": w1, "w2": w2,
            "topk_weights": topk_weights, "topk_ids": topk_ids}

def reference(hidden_states, w1, w2, topk_weights, topk_ids):
    # FusedMoe.forward: dispatch tokens to experts per topk_ids, run
    # gemm1 -> silu_and_mul -> gemm2 per expert, weight by topk_weights,
    # and reduce over top_k (TopKWeightAndReduce / finalize).
    e_num, n_dim, k_dim = w1.shape
    m = hidden_states.shape[0]
    topk = topk_ids.shape[1]
    flat_ids = topk_ids.reshape(-1)                      # [M*topk]
    x_rep = jnp.repeat(hidden_states, topk, axis=0)      # [M*topk, K]
    dispatch = jax.nn.one_hot(flat_ids, e_num, dtype=hidden_states.dtype)  # [M*topk, E]
    # route tokens to experts (zero out unassigned tokens per expert)
    xe = jnp.einsum('me,md->emd', dispatch, x_rep)       # [E, M*topk, K]
    # gemm1: x @ w1[e].T -> [E, M*topk, N] where N = 2*d_ff (gate+up)
    h = jnp.einsum('emd,end->emn', xe, w1)
    d_ff = n_dim // 2
    # silu_and_mul activation
    act = jax.nn.silu(h[..., :d_ff]) * h[..., d_ff:]
    # gemm2: act @ w2[e].T -> [E, M*topk, K]
    y = jnp.einsum('emf,ekf->emk', act, w2)
    # gather each token's expert output (combine)
    y_tok = jnp.einsum('emk,me->mk', y, dispatch)        # [M*topk, K]
    # apply router weights and reduce over top_k
    y_tok = y_tok * topk_weights.reshape(-1, 1)
    out = y_tok.reshape(m, topk, k_dim).sum(axis=1)
    return out

if __name__ == "__main__":
    import jax
    _d = setup_inputs()
    print(jax.jit(kernel)(*tuple(_d.values())))

</pallas_src>

<mosaic_0001>
#map = affine_map<(d0, d1) -> (0, 0)>
module attributes {stable_mosaic.version = 14 : i64} {
  func.func @pack(%arg0: i32, %arg1: i32, %arg2: memref<512x768xf32, #tpu.memory_space<hbm>>, %arg3: memref<32x16xi32, #tpu.memory_space<hbm>>, %arg4: memref<512x128xf32, #tpu.memory_space<hbm>>, %arg5: memref<1536x768xf32, #tpu.memory_space<hbm>>, %arg6: memref<1536x128xf32, #tpu.memory_space<hbm>>, %arg7: memref<16x768xf32, #tpu.memory_space<vmem>>, %arg8: memref<16x128xf32, #tpu.memory_space<vmem>>, %arg9: memref<16xi32, #tpu.memory_space<vmem>>, %arg10: memref<!tpu.dma_semaphore, #tpu.memory_space<semaphore_mem>>) attributes {dimension_semantics = [#tpu.dimension_semantics<core_parallel>, #tpu.dimension_semantics<subcore_parallel>], iteration_bounds = array<i64: 2, 16>, scalar_prefetch = 0 : i64, scratch_operands = 4 : i64, tpu.core_type = #tpu.core_type<sc_vector_subcore>, window_params = [{transform_indices = #map}, {transform_indices = #map}, {transform_indices = #map}, {transform_indices = #map}, {transform_indices = #map}]} {
    %mul3A = arith.constant 2 : i32
    %mul3A_0 = arith.muli %arg1, %mul3A : i32
    %add3A = arith.addi %mul3A_0, %arg0 : i32
    %mul3A_1 = arith.constant 16 : i32
    %mul3A_2 = arith.muli %add3A, %mul3A_1 : i32
    "tpu.region"() ({
      %run_scoped3A = tpu.sem_alloc : memref<!tpu.dma_semaphore, #tpu.memory_space<semaphore_mem>>
      %dma_start3A_13 = arith.constant 0 : i32
      %dma_start3A_14 = tpu.memref_slice %arg2[%mul3A_2, %dma_start3A_13] : memref<512x768xf32, #tpu.memory_space<hbm>> -> memref<16x768xf32, #tpu.memory_space<hbm>>
      %dma_start3A_15 = arith.constant 0 : i32
      %dma_start3A_16 = tpu.memref_slice %arg2[%mul3A_2, %dma_start3A_15] : memref<512x768xf32, #tpu.memory_space<hbm>> -> memref<16x768xf32, #tpu.memory_space<hbm>>
      tpu.enqueue_dma source(%dma_start3A_16 : memref<16x768xf32, #tpu.memory_space<hbm>>) target(%arg7 : memref<16x768xf32, #tpu.memory_space<vmem>>) target_semaphore(%run_scoped3A : memref<!tpu.dma_semaphore, #tpu.memory_space<semaphore_mem>>)
      %dma_wait3A_17 = arith.constant 0 : i32
      %dma_wait3A_18 = tpu.memref_slice %arg2[%mul3A_2, %dma_wait3A_17] : memref<512x768xf32, #tpu.memory_space<hbm>> -> memref<16x768xf32, #tpu.memory_space<hbm>>
      %dma_wait3A_19 = arith.constant 0 : i32
      %dma_wait3A_20 = tpu.memref_slice %arg2[%mul3A_2, %dma_wait3A_19] : memref<512x768xf32, #tpu.memory_space<hbm>> -> memref<16x768xf32, #tpu.memory_space<hbm>>
      tpu.wait_dma2 semaphore(%run_scoped3A : memref<!tpu.dma_semaphore, #tpu.memory_space<semaphore_mem>>) src(%dma_wait3A_20 : memref<16x768xf32, #tpu.memory_space<hbm>>) dst(%arg7 : memref<16x768xf32, #tpu.memory_space<vmem>>)
      tpu.yield
    }) : () -> ()
    "tpu.region"() ({
      %run_scoped3A = tpu.sem_alloc : memref<!tpu.dma_semaphore, #tpu.memory_space<semaphore_mem>>
      %dma_start3A_13 = arith.constant 0 : i32
      %dma_start3A_14 = tpu.memref_slice %arg4[%mul3A_2, %dma_start3A_13] : memref<512x128xf32, #tpu.memory_space<hbm>> -> memref<16x128xf32, #tpu.memory_space<hbm>>
      %dma_start3A_15 = arith.constant 0 : i32
      %dma_start3A_16 = tpu.memref_slice %arg4[%mul3A_2, %dma_start3A_15] : memref<512x128xf32, #tpu.memory_space<hbm>> -> memref<16x128xf32, #tpu.memory_space<hbm>>
      tpu.enqueue_dma source(%dma_start3A_16 : memref<16x128xf32, #tpu.memory_space<hbm>>) target(%arg8 : memref<16x128xf32, #tpu.memory_space<vmem>>) target_semaphore(%run_scoped3A : memref<!tpu.dma_semaphore, #tpu.memory_space<semaphore_mem>>)
      %dma_wait3A_17 = arith.constant 0 : i32
      %dma_wait3A_18 = tpu.memref_slice %arg4[%mul3A_2, %dma_wait3A_17] : memref<512x128xf32, #tpu.memory_space<hbm>> -> memref<16x128xf32, #tpu.memory_space<hbm>>
      %dma_wait3A_19 = arith.constant 0 : i32
      %dma_wait3A_20 = tpu.memref_slice %arg4[%mul3A_2, %dma_wait3A_19] : memref<512x128xf32, #tpu.memory_space<hbm>> -> memref<16x128xf32, #tpu.memory_space<hbm>>
      tpu.wait_dma2 semaphore(%run_scoped3A : memref<!tpu.dma_semaphore, #tpu.memory_space<semaphore_mem>>) src(%dma_wait3A_20 : memref<16x128xf32, #tpu.memory_space<hbm>>) dst(%arg8 : memref<16x128xf32, #tpu.memory_space<vmem>>)
      tpu.yield
    }) : () -> ()
    "tpu.region"() ({
      %run_scoped3A = tpu.sem_alloc : memref<!tpu.dma_semaphore, #tpu.memory_space<semaphore_mem>>
      %dma_start3A_13 = arith.constant 0 : i32
      %dma_start3A_14 = tpu.memref_slice %arg3[%add3A, %dma_start3A_13] : memref<32x16xi32, #tpu.memory_space<hbm>> -> memref<1x16xi32, #tpu.memory_space<hbm>>
      %dma_start3A_15 = tpu.memref_squeeze %dma_start3A_14 : memref<1x16xi32, #tpu.memory_space<hbm>> -> memref<16xi32, #tpu.memory_space<hbm>>
      %dma_start3A_16 = arith.constant 0 : i32
      %dma_start3A_17 = tpu.memref_slice %arg3[%add3A, %dma_start3A_16] : memref<32x16xi32, #tpu.memory_space<hbm>> -> memref<1x16xi32, #tpu.memory_space<hbm>>
      %dma_start3A_18 = tpu.memref_squeeze %dma_start3A_17 : memref<1x16xi32, #tpu.memory_space<hbm>> -> memref<16xi32, #tpu.memory_space<hbm>>
      tpu.enqueue_dma source(%dma_start3A_18 : memref<16xi32, #tpu.memory_space<hbm>>) target(%arg9 : memref<16xi32, #tpu.memory_space<vmem>>) target_semaphore(%run_scoped3A : memref<!tpu.dma_semaphore, #tpu.memory_space<semaphore_mem>>)
      %dma_wait3A_19 = arith.constant 0 : i32
      %dma_wait3A_20 = tpu.memref_slice %arg3[%add3A, %dma_wait3A_19] : memref<32x16xi32, #tpu.memory_space<hbm>> -> memref<1x16xi32, #tpu.memory_space<hbm>>
      %dma_wait3A_21 = tpu.memref_squeeze %dma_wait3A_20 : memref<1x16xi32, #tpu.memory_space<hbm>> -> memref<16xi32, #tpu.memory_space<hbm>>
      %dma_wait3A_22 = arith.constant 0 : i32
      %dma_wait3A_23 = tpu.memref_slice %arg3[%add3A, %dma_wait3A_22] : memref<32x16xi32, #tpu.memory_space<hbm>> -> memref<1x16xi32, #tpu.memory_space<hbm>>
      %dma_wait3A_24 = tpu.memref_squeeze %dma_wait3A_23 : memref<1x16xi32, #tpu.memory_space<hbm>> -> memref<16xi32, #tpu.memory_space<hbm>>
      tpu.wait_dma2 semaphore(%run_scoped3A : memref<!tpu.dma_semaphore, #tpu.memory_space<semaphore_mem>>) src(%dma_wait3A_24 : memref<16xi32, #tpu.memory_space<hbm>>) dst(%arg9 : memref<16xi32, #tpu.memory_space<vmem>>)
      tpu.yield
    }) : () -> ()
    %dma_start3A = arith.constant 0 : i32
    %dma_start3A_3 = arith.constant 0 : i32
    %dma_start3A_4 = tpu.memref_slice %arg5[%dma_start3A, %dma_start3A_3] : memref<1536x768xf32, #tpu.memory_space<hbm>> -> memref<1536x768xf32, #tpu.memory_space<hbm>>
    tpu.enqueue_indirect_dma source(%arg7 : memref<16x768xf32, #tpu.memory_space<vmem>>) target(%dma_start3A_4 : memref<1536x768xf32, #tpu.memory_space<hbm>>) offsets(%arg9 : memref<16xi32, #tpu.memory_space<vmem>>) semaphore(%arg10 : memref<!tpu.dma_semaphore, #tpu.memory_space<semaphore_mem>>)
    %dma_start3A_5 = arith.constant 0 : i32
    %dma_start3A_6 = arith.constant 0 : i32
    %dma_start3A_7 = tpu.memref_slice %arg6[%dma_start3A_5, %dma_start3A_6] : memref<1536x128xf32, #tpu.memory_space<hbm>> -> memref<1536x128xf32, #tpu.memory_space<hbm>>
    tpu.enqueue_indirect_dma source(%arg8 : memref<16x128xf32, #tpu.memory_space<vmem>>) target(%dma_start3A_7 : memref<1536x128xf32, #tpu.memory_space<hbm>>) offsets(%arg9 : memref<16xi32, #tpu.memory_space<vmem>>) semaphore(%arg10 : memref<!tpu.dma_semaphore, #tpu.memory_space<semaphore_mem>>)
    %dma_wait3A = arith.constant 0 : i32
    %dma_wait3A_8 = arith.constant 0 : i32
    %dma_wait3A_9 = tpu.memref_slice %arg5[%dma_wait3A, %dma_wait3A_8] : memref<1536x768xf32, #tpu.memory_space<hbm>> -> memref<1536x768xf32, #tpu.memory_space<hbm>>
    tpu.wait_indirect_dma semaphore(%arg10 : memref<!tpu.dma_semaphore, #tpu.memory_space<semaphore_mem>>) src(%arg7 : memref<16x768xf32, #tpu.memory_space<vmem>>) dst(%dma_wait3A_9 : memref<1536x768xf32, #tpu.memory_space<hbm>>)
    %dma_wait3A_10 = arith.constant 0 : i32
    %dma_wait3A_11 = arith.constant 0 : i32
    %dma_wait3A_12 = tpu.memref_slice %arg6[%dma_wait3A_10, %dma_wait3A_11] : memref<1536x128xf32, #tpu.memory_space<hbm>> -> memref<1536x128xf32, #tpu.memory_space<hbm>>
    tpu.wait_indirect_dma semaphore(%arg10 : memref<!tpu.dma_semaphore, #tpu.memory_space<semaphore_mem>>) src(%arg8 : memref<16x128xf32, #tpu.memory_space<vmem>>) dst(%dma_wait3A_12 : memref<1536x128xf32, #tpu.memory_space<hbm>>)
    return
  }
}

#map = affine_map<(d0, d1) -> (0, 0)>
#map1 = affine_map<(d0, d1) -> (0)>
module attributes {stable_mosaic.version = 14 : i64} {
  func.func @gather(%arg0: i32, %arg1: i32, %arg2: memref<1536x768xf32, #tpu.memory_space<hbm>>, %arg3: memref<512xi32, #tpu.memory_space<hbm>>, %arg4: memref<512x768xf32, #tpu.memory_space<hbm>>, %arg5: memref<16xi32, #tpu.memory_space<vmem>>, %arg6: memref<16x768xf32, #tpu.memory_space<vmem>>, %arg7: memref<!tpu.dma_semaphore, #tpu.memory_space<semaphore_mem>>) attributes {dimension_semantics = [#tpu.dimension_semantics<core_parallel>, #tpu.dimension_semantics<subcore_parallel>], iteration_bounds = array<i64: 2, 16>, scalar_prefetch = 0 : i64, scratch_operands = 3 : i64, tpu.core_type = #tpu.core_type<sc_vector_subcore>, window_params = [{transform_indices = #map}, {transform_indices = #map1}, {transform_indices = #map}]} {
    %mul3A = arith.constant 2 : i32
    %mul3A_0 = arith.muli %arg1, %mul3A : i32
    %add3A = arith.addi %mul3A_0, %arg0 : i32
    %mul3A_1 = arith.constant 16 : i32
    %mul3A_2 = arith.muli %add3A, %mul3A_1 : i32
    "tpu.region"() ({
      %run_scoped3A = tpu.sem_alloc : memref<!tpu.dma_semaphore, #tpu.memory_space<semaphore_mem>>
      %dma_start3A_33 = tpu.memref_slice %arg3[%mul3A_2] : memref<512xi32, #tpu.memory_space<hbm>> -> memref<16xi32, #tpu.memory_space<hbm>>
      %dma_start3A_34 = tpu.memref_slice %arg3[%mul3A_2] : memref<512xi32, #tpu.memory_space<hbm>> -> memref<16xi32, #tpu.memory_space<hbm>>
      tpu.enqueue_dma source(%dma_start3A_34 : memref<16xi32, #tpu.memory_space<hbm>>) target(%arg5 : memref<16xi32, #tpu.memory_space<vmem>>) target_semaphore(%run_scoped3A : memref<!tpu.dma_semaphore, #tpu.memory_space<semaphore_mem>>)
      %dma_wait3A_35 = tpu.memref_slice %arg3[%mul3A_2] : memref<512xi32, #tpu.memory_space<hbm>> -> memref<16xi32, #tpu.memory_space<hbm>>
      %dma_wait3A_36 = tpu.memref_slice %arg3[%mul3A_2] : memref<512xi32, #tpu.memory_space<hbm>> -> memref<16xi32, #tpu.memory_space<hbm>>
      tpu.wait_dma2 semaphore(%run_scoped3A : memref<!tpu.dma_semaphore, #tpu.memory_space<semaphore_mem>>) src(%dma_wait3A_36 : memref<16xi32, #tpu.memory_space<hbm>>) dst(%arg5 : memref<16xi32, #tpu.memory_space<vmem>>)
      tpu.yield
    }) : () -> ()
    %dma_start3A = arith.constant 0 : i32
    %dma_start3A_3 = arith.constant 0 : i32
    %dma_start3A_4 = tpu.memref_slice %arg6[%dma_start3A, %dma_start3A_3] : memref<16x768xf32, #tpu.memory_space<vmem>> -> memref<8x768xf32, #tpu.memory_space<vmem>>
    %dma_start3A_5 = arith.constant 0 : i32
    %dma_start3A_6 = tpu.memref_slice %arg5[%dma_start3A_5] : memref<16xi32, #tpu.memory_space<vmem>> -> memref<8xi32, #tpu.memory_space<vmem>>
    %dma_start3A_7 = arith.constant 0 : i32
    %dma_start3A_8 = arith.constant 0 : i32
    %dma_start3A_9 = tpu.memref_slice %arg2[%dma_start3A_7, %dma_start3A_8] : memref<1536x768xf32, #tpu.memory_space<hbm>> -> memref<1536x768xf32, #tpu.memory_space<hbm>>
    tpu.enqueue_indirect_dma source(%dma_start3A_9 : memref<1536x768xf32, #tpu.memory_space<hbm>>) target(%dma_start3A_4 : memref<8x768xf32, #tpu.memory_space<vmem>>) offsets(%dma_start3A_6 : memref<8xi32, #tpu.memory_space<vmem>>) semaphore(%arg7 : memref<!tpu.dma_semaphore, #tpu.memory_space<semaphore_mem>>)
    %dma_start3A_10 = arith.constant 8 : i32
    %dma_start3A_11 = arith.constant 0 : i32
    %dma_start3A_12 = tpu.memref_slice %arg6[%dma_start3A_10, %dma_start3A_11] : memref<16x768xf32, #tpu.memory_space<vmem>> -> memref<8x768xf32, #tpu.memory_space<vmem>>
    %dma_start3A_13 = arith.constant 8 : i32
    %dma_start3A_14 = tpu.memref_slice %arg5[%dma_start3A_13] : memref<16xi32, #tpu.memory_space<vmem>> -> memref<8xi32, #tpu.memory_space<vmem>>
    %dma_start3A_15 = arith.constant 0 : i32
    %dma_start3A_16 = arith.constant 0 : i32
    %dma_start3A_17 = tpu.memref_slice %arg2[%dma_start3A_15, %dma_start3A_16] : memref<1536x768xf32, #tpu.memory_space<hbm>> -> memref<1536x768xf32, #tpu.memory_space<hbm>>
    tpu.enqueue_indirect_dma source(%dma_start3A_17 : memref<1536x768xf32, #tpu.memory_space<hbm>>) target(%dma_start3A_12 : memref<8x768xf32, #tpu.memory_space<vmem>>) offsets(%dma_start3A_14 : memref<8xi32, #tpu.memory_space<vmem>>) semaphore(%arg7 : memref<!tpu.dma_semaphore, #tpu.memory_space<semaphore_mem>>)
    %dma_wait3A = arith.constant 0 : i32
    %dma_wait3A_18 = arith.constant 0 : i32
    %dma_wait3A_19 = tpu.memref_slice %arg6[%dma_wait3A, %dma_wait3A_18] : memref<16x768xf32, #tpu.memory_space<vmem>> -> memref<8x768xf32, #tpu.memory_space<vmem>>
    %dma_wait3A_20 = arith.constant 0 : i32
    %dma_wait3A_21 = tpu.memref_slice %arg5[%dma_wait3A_20] : memref<16xi32, #tpu.memory_space<vmem>> -> memref<8xi32, #tpu.memory_space<vmem>>
    %dma_wait3A_22 = arith.constant 0 : i32
    %dma_wait3A_23 = arith.constant 0 : i32
    %dma_wait3A_24 = tpu.memref_slice %arg2[%dma_wait3A_22, %dma_wait3A_23] : memref<1536x768xf32, #tpu.memory_space<hbm>> -> memref<1536x768xf32, #tpu.memory_space<hbm>>
    tpu.wait_indirect_dma semaphore(%arg7 : memref<!tpu.dma_semaphore, #tpu.memory_space<semaphore_mem>>) src(%dma_wait3A_24 : memref<1536x768xf32, #tpu.memory_space<hbm>>) dst(%dma_wait3A_19 : memref<8x768xf32, #tpu.memory_space<vmem>>)
    %dma_wait3A_25 = arith.constant 8 : i32
    %dma_wait3A_26 = arith.constant 0 : i32
    %dma_wait3A_27 = tpu.memref_slice %arg6[%dma_wait3A_25, %dma_wait3A_26] : memref<16x768xf32, #tpu.memory_space<vmem>> -> memref<8x768xf32, #tpu.memory_space<vmem>>
    %dma_wait3A_28 = arith.constant 8 : i32
    %dma_wait3A_29 = tpu.memref_slice %arg5[%dma_wait3A_28] : memref<16xi32, #tpu.memory_space<vmem>> -> memref<8xi32, #tpu.memory_space<vmem>>
    %dma_wait3A_30 = arith.constant 0 : i32
    %dma_wait3A_31 = arith.constant 0 : i32
    %dma_wait3A_32 = tpu.memref_slice %arg2[%dma_wait3A_30, %dma_wait3A_31] : memref<1536x768xf32, #tpu.memory_space<hbm>> -> memref<1536x768xf32, #tpu.memory_space<hbm>>
    tpu.wait_indirect_dma semaphore(%arg7 : memref<!tpu.dma_semaphore, #tpu.memory_space<semaphore_mem>>) src(%dma_wait3A_32 : memref<1536x768xf32, #tpu.memory_space<hbm>>) dst(%dma_wait3A_27 : memref<8x768xf32, #tpu.memory_space<vmem>>)
    "tpu.region"() ({
      %run_scoped3A = tpu.sem_alloc : memref<!tpu.dma_semaphore, #tpu.memory_space<semaphore_mem>>
      %dma_start3A_33 = arith.constant 0 : i32
      %dma_start3A_34 = tpu.memref_slice %arg4[%mul3A_2, %dma_start3A_33] : memref<512x768xf32, #tpu.memory_space<hbm>> -> memref<16x768xf32, #tpu.memory_space<hbm>>
      %dma_start3A_35 = arith.constant 0 : i32
      %dma_start3A_36 = tpu.memref_slice %arg4[%mul3A_2, %dma_start3A_35] : memref<512x768xf32, #tpu.memory_space<hbm>> -> memref<16x768xf32, #tpu.memory_space<hbm>>
      tpu.enqueue_dma source(%arg6 : memref<16x768xf32, #tpu.memory_space<vmem>>) target(%dma_start3A_36 : memref<16x768xf32, #tpu.memory_space<hbm>>) target_semaphore(%run_scoped3A : memref<!tpu.dma_semaphore, #tpu.memory_space<semaphore_mem>>)
      %dma_wait3A_37 = arith.constant 0 : i32
      %dma_wait3A_38 = tpu.memref_slice %arg4[%mul3A_2, %dma_wait3A_37] : memref<512x768xf32, #tpu.memory_space<hbm>> -> memref<16x768xf32, #tpu.memory_space<hbm>>
      %dma_wait3A_39 = arith.constant 0 : i32
      %dma_wait3A_40 = tpu.memref_slice %arg4[%mul3A_2, %dma_wait3A_39] : memref<512x768xf32, #tpu.memory_space<hbm>> -> memref<16x768xf32, #tpu.memory_space<hbm>>
      tpu.wait_dma2 semaphore(%run_scoped3A : memref<!tpu.dma_semaphore, #tpu.memory_space<semaphore_mem>>) src(%arg6 : memref<16x768xf32, #tpu.memory_space<vmem>>) dst(%dma_wait3A_40 : memref<16x768xf32, #tpu.memory_space<hbm>>)
      tpu.yield
    }) : () -> ()
    return
  }
}

module attributes {stable_mosaic.version = 14 : i64} {
  func.func @body(%arg0: i32, %arg1: memref<128xi32, #tpu.memory_space<smem>>, %arg2: memref<1536x768xf32, #tpu.memory_space<vmem>>, %arg3: memref<2x1536x768xf32, #tpu.memory_space<vmem>>, %arg4: memref<2x768x768xf32, #tpu.memory_space<vmem>>, %arg5: memref<1536x128xf32, #tpu.memory_space<vmem>>, %arg6: memref<1536x768xf32, #tpu.memory_space<vmem>>) attributes {dimension_semantics = [#tpu.dimension_semantics<arbitrary>], iteration_bounds = array<i64: 32>, scalar_prefetch = 1 : i64, scratch_operands = 0 : i64, tpu.core_type = #tpu.core_type<tc>, window_params = [{pipeline_mode = #tpu.pipeline_mode<synchronous>, transform_indices = @transform_0, window_bounds = array<i64: 1536, 768>}, {transform_indices = @transform_1, window_bounds = array<i64: 2, 1536, 768>}, {transform_indices = @transform_2, window_bounds = array<i64: 2, 768, 768>}, {pipeline_mode = #tpu.pipeline_mode<synchronous>, transform_indices = @transform_3, window_bounds = array<i64: 1536, 128>}, {pipeline_mode = #tpu.pipeline_mode<synchronous>, transform_indices = @transform_4, window_bounds = array<i64: 1536, 768>}]} {
    %mul3A = arith.constant 2 : i32
    %mul3A_0 = arith.muli %mul3A, %arg0 : i32
    %add3A = arith.constant 0 : i32
    %add3A_1 = arith.addi %mul3A_0, %add3A : i32
    %get3A = arith.index_cast %add3A_1 : i32 to index
    %get3A_2 = memref.load %arg1[%get3A] : memref<128xi32, #tpu.memory_space<smem>>
    %add3A_3 = arith.constant 64 : i32
    %add3A_4 = arith.addi %add3A_3, %add3A_1 : i32
    %get3A_5 = arith.index_cast %add3A_4 : i32 to index
    %get3A_6 = memref.load %arg1[%get3A_5] : memref<128xi32, #tpu.memory_space<smem>>
    %gt3A = arith.constant 0 : i32
    %gt3A_7 = arith.cmpi sgt, %get3A_6, %gt3A : i32
    %convert_element_type3A = arith.extui %gt3A_7 : i1 to i32
    %cond3A = arith.constant 0 : i32
    %cond3A_8 = arith.cmpi ne, %convert_element_type3A, %cond3A : i32
    scf.if %cond3A_8 {
      %while3A = arith.constant 0 : i32
      %while3A_24 = arith.constant 0 : i32
      %while3A_25 = arith.subi %get3A_6, %while3A : i32
      %while3A_26 = arith.addi %while3A, %while3A_25 : i32
      %while3A_27 = arith.constant 1 : i32
      %while3A_28 = arith.divsi %while3A_25, %while3A_27 : i32
      %while3A_29 = arith.muli %while3A_28, %while3A_27 : i32
      %while3A_30 = arith.addi %while3A, %while3A_29 : i32
      %while3A_31 = arith.constant 1 : i32
      %while3A_32 = scf.for %while3A_35 = %while3A to %while3A_30 step %while3A_31 iter_args(%while3A_36 = %while3A_24) -> (i32)  : i32 {
        %mul3A_37 = arith.constant 16 : i32
        %mul3A_38 = arith.muli %while3A_35, %mul3A_37 : i32
        %add3A_39 = arith.addi %get3A_2, %mul3A_38 : i32
        %multiple_of3A = tpu.assume_multiple %add3A_39, 16 : i32
        %get3A_40 = arith.index_cast %multiple_of3A : i32 to index
        %get3A_41 = arith.constant 0 : index
        %get3A_42 = vector.load %arg2[%get3A_40, %get3A_41] : memref<1536x768xf32, #tpu.memory_space<vmem>>, vector<16x768xf32>
        %get3A_43 = arith.constant 0 : index
        %get3A_44 = arith.constant 0 : index
        %get3A_45 = arith.constant 0 : index
        %get3A_46 = vector.load %arg3[%get3A_43, %get3A_44, %get3A_45] : memref<2x1536x768xf32, #tpu.memory_space<vmem>>, vector<1x1536x768xf32>
        %get3A_47 = vector.shape_cast %get3A_46 : vector<1x1536x768xf32> to vector<1536x768xf32>
        %dot_general3A = arith.constant dense<0.000000e+00> : vector<16x1536xf32>
        %dot_general3A_48 = tpu.matmul %get3A_42, %get3A_47, %dot_general3A {dimension_numbers = #tpu.dot_dimension_numbers<[1], [1], [0], [0], [0, 0, 1, 0], [], []>, transpose_lhs_hint = false} : vector<16x768xf32>, vector<1536x768xf32>, vector<16x1536xf32> -> vector<16x1536xf32>
        %slice3A = vector.extract_strided_slice %dot_general3A_48 {offsets = [0, 0], sizes = [16, 768], strides = [1, 1]} : vector<16x1536xf32> to vector<16x768xf32>
        %neg3A = arith.constant 0.000000e+00 : f32
        %neg3A_49 = vector.broadcast %neg3A : f32 to vector<16x768xf32>
        %neg3A_50 = arith.subf %neg3A_49, %slice3A : vector<16x768xf32>
        %exp3A = math.exp %neg3A_50 : vector<16x768xf32>
        %add3A_51 = arith.constant 1.000000e+00 : f32
        %add3A_52 = vector.broadcast %add3A_51 : f32 to vector<16x768xf32>
        %add3A_53 = arith.addf %add3A_52, %exp3A : vector<16x768xf32>
        %div3A = arith.divf %slice3A, %add3A_53 : vector<16x768xf32>
        %slice3A_54 = vector.extract_strided_slice %dot_general3A_48 {offsets = [0, 768], sizes = [16, 768], strides = [1, 1]} : vector<16x1536xf32> to vector<16x768xf32>
        %mul3A_55 = arith.mulf %div3A, %slice3A_54 : vector<16x768xf32>
        %get3A_56 = arith.constant 0 : index
        %get3A_57 = arith.constant 0 : index
        %get3A_58 = arith.constant 0 : index
        %get3A_59 = vector.load %arg4[%get3A_56, %get3A_57, %get3A_58] : memref<2x768x768xf32, #tpu.memory_space<vmem>>, vector<1x768x768xf32>
        %get3A_60 = vector.shape_cast %get3A_59 : vector<1x768x768xf32> to vector<768x768xf32>
        %dot_general3A_61 = arith.constant dense<0.000000e+00> : vector<16x768xf32>
        %dot_general3A_62 = tpu.matmul %mul3A_55, %get3A_60, %dot_general3A_61 {dimension_numbers = #tpu.dot_dimension_numbers<[1], [1], [0], [0], [0, 0, 1, 0], [], []>, transpose_lhs_hint = false} : vector<16x768xf32>, vector<768x768xf32>, vector<16x768xf32> -> vector<16x768xf32>
        %get3A_63 = arith.index_cast %multiple_of3A : i32 to index
        %get3A_64 = arith.constant 0 : index
        %get3A_65 = vector.load %arg5[%get3A_63, %get3A_64] : memref<1536x128xf32, #tpu.memory_space<vmem>>, vector<16x1xf32>
        %mul3A_66 = vector.broadcast %get3A_65 : vector<16x1xf32> to vector<16x768xf32>
        %mul3A_67 = arith.mulf %dot_general3A_62, %mul3A_66 : vector<16x768xf32>
        %swap3A = arith.index_cast %multiple_of3A : i32 to index
        %swap3A_68 = arith.constant 0 : index
        %swap3A_69 = vector.load %arg6[%swap3A, %swap3A_68] : memref<1536x768xf32, #tpu.memory_space<vmem>>, vector<16x768xf32>
        tpu.vector_store %arg6[%swap3A, %swap3A_68], %mul3A_67 {strides = array<i32>} : memref<1536x768xf32, #tpu.memory_space<vmem>>, vector<16x768xf32>,
        %while3A_70 = arith.constant 0 : i32
        scf.yield %while3A_70 : i32
      }
      %while3A_33 = arith.constant 1 : i32
      %while3A_34 = scf.for %while3A_35 = %while3A_30 to %while3A_26 step %while3A_33 iter_args(%while3A_36 = %while3A_32) -> (i32)  : i32 {
        %mul3A_37 = arith.constant 16 : i32
        %mul3A_38 = arith.muli %while3A_35, %mul3A_37 : i32
        %add3A_39 = arith.addi %get3A_2, %mul3A_38 : i32
        %multiple_of3A = tpu.assume_multiple %add3A_39, 16 : i32
        %get3A_40 = arith.index_cast %multiple_of3A : i32 to index
        %get3A_41 = arith.constant 0 : index
        %get3A_42 = vector.load %arg2[%get3A_40, %get3A_41] : memref<1536x768xf32, #tpu.memory_space<vmem>>, vector<16x768xf32>
        %get3A_43 = arith.constant 0 : index
        %get3A_44 = arith.constant 0 : index
        %get3A_45 = arith.constant 0 : index
        %get3A_46 = vector.load %arg3[%get3A_43, %get3A_44, %get3A_45] : memref<2x1536x768xf32, #tpu.memory_space<vmem>>, vector<1x1536x768xf32>
        %get3A_47 = vector.shape_cast %get3A_46 : vector<1x1536x768xf32> to vector<1536x768xf32>
        %dot_general3A = arith.constant dense<0.000000e+00> : vector<16x1536xf32>
        %dot_general3A_48 = tpu.matmul %get3A_42, %get3A_47, %dot_general3A {dimension_numbers = #tpu.dot_dimension_numbers<[1], [1], [0], [0], [0, 0, 1, 0], [], []>, transpose_lhs_hint = false} : vector<16x768xf32>, vector<1536x768xf32>, vector<16x1536xf32> -> vector<16x1536xf32>
        %slice3A = vector.extract_strided_slice %dot_general3A_48 {offsets = [0, 0], sizes = [16, 768], strides = [1, 1]} : vector<16x1536xf32> to vector<16x768xf32>
        %neg3A = arith.constant 0.000000e+00 : f32
        %neg3A_49 = vector.broadcast %neg3A : f32 to vector<16x768xf32>
        %neg3A_50 = arith.subf %neg3A_49, %slice3A : vector<16x768xf32>
        %exp3A = math.exp %neg3A_50 : vector<16x768xf32>
        %add3A_51 = arith.constant 1.000000e+00 : f32
        %add3A_52 = vector.broadcast %add3A_51 : f32 to vector<16x768xf32>
        %add3A_53 = arith.addf %add3A_52, %exp3A : vector<16x768xf32>
        %div3A = arith.divf %slice3A, %add3A_53 : vector<16x768xf32>
        %slice3A_54 = vector.extract_strided_slice %dot_general3A_48 {offsets = [0, 768], sizes = [16, 768], strides = [1, 1]} : vector<16x1536xf32> to vector<16x768xf32>
        %mul3A_55 = arith.mulf %div3A, %slice3A_54 : vector<16x768xf32>
        %get3A_56 = arith.constant 0 : index
        %get3A_57 = arith.constant 0 : index
        %get3A_58 = arith.constant 0 : index
        %get3A_59 = vector.load %arg4[%get3A_56, %get3A_57, %get3A_58] : memref<2x768x768xf32, #tpu.memory_space<vmem>>, vector<1x768x768xf32>
        %get3A_60 = vector.shape_cast %get3A_59 : vector<1x768x768xf32> to vector<768x768xf32>
        %dot_general3A_61 = arith.constant dense<0.000000e+00> : vector<16x768xf32>
        %dot_general3A_62 = tpu.matmul %mul3A_55, %get3A_60, %dot_general3A_61 {dimension_numbers = #tpu.dot_dimension_numbers<[1], [1], [0], [0], [0, 0, 1, 0], [], []>, transpose_lhs_hint = false} : vector<16x768xf32>, vector<768x768xf32>, vector<16x768xf32> -> vector<16x768xf32>
        %get3A_63 = arith.index_cast %multiple_of3A : i32 to index
        %get3A_64 = arith.constant 0 : index
        %get3A_65 = vector.load %arg5[%get3A_63, %get3A_64] : memref<1536x128xf32, #tpu.memory_space<vmem>>, vector<16x1xf32>
        %mul3A_66 = vector.broadcast %get3A_65 : vector<16x1xf32> to vector<16x768xf32>
        %mul3A_67 = arith.mulf %dot_general3A_62, %mul3A_66 : vector<16x768xf32>
        %swap3A = arith.index_cast %multiple_of3A : i32 to index
        %swap3A_68 = arith.constant 0 : index
        %swap3A_69 = vector.load %arg6[%swap3A, %swap3A_68] : memref<1536x768xf32, #tpu.memory_space<vmem>>, vector<16x768xf32>
        tpu.vector_store %arg6[%swap3A, %swap3A_68], %mul3A_67 {strides = array<i32>} : memref<1536x768xf32, #tpu.memory_space<vmem>>, vector<16x768xf32>,
        %while3A_70 = arith.constant 0 : i32
        scf.yield %while3A_70 : i32
      }
    } else {
    }
    %mul3A_9 = arith.constant 2 : i32
    %mul3A_10 = arith.muli %mul3A_9, %arg0 : i32
    %add3A_11 = arith.constant 1 : i32
    %add3A_12 = arith.addi %mul3A_10, %add3A_11 : i32
    %get3A_13 = arith.index_cast %add3A_12 : i32 to index
    %get3A_14 = memref.load %arg1[%get3A_13] : memref<128xi32, #tpu.memory_space<smem>>
    %add3A_15 = arith.constant 64 : i32
    %add3A_16 = arith.addi %add3A_15, %add3A_12 : i32
    %get3A_17 = arith.index_cast %add3A_16 : i32 to index
    %get3A_18 = memref.load %arg1[%get3A_17] : memref<128xi32, #tpu.memory_space<smem>>
    %gt3A_19 = arith.constant 0 : i32
    %gt3A_20 = arith.cmpi sgt, %get3A_18, %gt3A_19 : i32
    %convert_element_type3A_21 = arith.extui %gt3A_20 : i1 to i32
    %cond3A_22 = arith.constant 0 : i32
    %cond3A_23 = arith.cmpi ne, %convert_element_type3A_21, %cond3A_22 : i32
    scf.if %cond3A_23 {
      %while3A = arith.constant 0 : i32
      %while3A_24 = arith.constant 0 : i32
      %while3A_25 = arith.subi %get3A_18, %while3A : i32
      %while3A_26 = arith.addi %while3A, %while3A_25 : i32
      %while3A_27 = arith.constant 1 : i32
      %while3A_28 = arith.divsi %while3A_25, %while3A_27 : i32
      %while3A_29 = arith.muli %while3A_28, %while3A_27 : i32
      %while3A_30 = arith.addi %while3A, %while3A_29 : i32
      %while3A_31 = arith.constant 1 : i32
      %while3A_32 = scf.for %while3A_35 = %while3A to %while3A_30 step %while3A_31 iter_args(%while3A_36 = %while3A_24) -> (i32)  : i32 {
        %mul3A_37 = arith.constant 16 : i32
        %mul3A_38 = arith.muli %while3A_35, %mul3A_37 : i32
        %add3A_39 = arith.addi %get3A_14, %mul3A_38 : i32
        %multiple_of3A = tpu.assume_multiple %add3A_39, 16 : i32
        %get3A_40 = arith.index_cast %multiple_of3A : i32 to index
        %get3A_41 = arith.constant 0 : index
        %get3A_42 = vector.load %arg2[%get3A_40, %get3A_41] : memref<1536x768xf32, #tpu.memory_space<vmem>>, vector<16x768xf32>
        %get3A_43 = arith.constant 1 : index
        %get3A_44 = arith.constant 0 : index
        %get3A_45 = arith.constant 0 : index
        %get3A_46 = vector.load %arg3[%get3A_43, %get3A_44, %get3A_45] : memref<2x1536x768xf32, #tpu.memory_space<vmem>>, vector<1x1536x768xf32>
        %get3A_47 = vector.shape_cast %get3A_46 : vector<1x1536x768xf32> to vector<1536x768xf32>
        %dot_general3A = arith.constant dense<0.000000e+00> : vector<16x1536xf32>
        %dot_general3A_48 = tpu.matmul %get3A_42, %get3A_47, %dot_general3A {dimension_numbers = #tpu.dot_dimension_numbers<[1], [1], [0], [0], [0, 0, 1, 0], [], []>, transpose_lhs_hint = false} : vector<16x768xf32>, vector<1536x768xf32>, vector<16x1536xf32> -> vector<16x1536xf32>
        %slice3A = vector.extract_strided_slice %dot_general3A_48 {offsets = [0, 0], sizes = [16, 768], strides = [1, 1]} : vector<16x1536xf32> to vector<16x768xf32>
        %neg3A = arith.constant 0.000000e+00 : f32
        %neg3A_49 = vector.broadcast %neg3A : f32 to vector<16x768xf32>
        %neg3A_50 = arith.subf %neg3A_49, %slice3A : vector<16x768xf32>
        %exp3A = math.exp %neg3A_50 : vector<16x768xf32>
        %add3A_51 = arith.constant 1.000000e+00 : f32
        %add3A_52 = vector.broadcast %add3A_51 : f32 to vector<16x768xf32>
        %add3A_53 = arith.addf %add3A_52, %exp3A : vector<16x768xf32>
        %div3A = arith.divf %slice3A, %add3A_53 : vector<16x768xf32>
        %slice3A_54 = vector.extract_strided_slice %dot_general3A_48 {offsets = [0, 768], sizes = [16, 768], strides = [1, 1]} : vector<16x1536xf32> to vector<16x768xf32>
        %mul3A_55 = arith.mulf %div3A, %slice3A_54 : vector<16x768xf32>
        %get3A_56 = arith.constant 1 : index
        %get3A_57 = arith.constant 0 : index
        %get3A_58 = arith.constant 0 : index
        %get3A_59 = vector.load %arg4[%get3A_56, %get3A_57, %get3A_58] : memref<2x768x768xf32, #tpu.memory_space<vmem>>, vector<1x768x768xf32>
        %get3A_60 = vector.shape_cast %get3A_59 : vector<1x768x768xf32> to vector<768x768xf32>
        %dot_general3A_61 = arith.constant dense<0.000000e+00> : vector<16x768xf32>
        %dot_general3A_62 = tpu.matmul %mul3A_55, %get3A_60, %dot_general3A_61 {dimension_numbers = #tpu.dot_dimension_numbers<[1], [1], [0], [0], [0, 0, 1, 0], [], []>, transpose_lhs_hint = false} : vector<16x768xf32>, vector<768x768xf32>, vector<16x768xf32> -> vector<16x768xf32>
        %get3A_63 = arith.index_cast %multiple_of3A : i32 to index
        %get3A_64 = arith.constant 0 : index
        %get3A_65 = vector.load %arg5[%get3A_63, %get3A_64] : memref<1536x128xf32, #tpu.memory_space<vmem>>, vector<16x1xf32>
        %mul3A_66 = vector.broadcast %get3A_65 : vector<16x1xf32> to vector<16x768xf32>
        %mul3A_67 = arith.mulf %dot_general3A_62, %mul3A_66 : vector<16x768xf32>
        %swap3A = arith.index_cast %multiple_of3A : i32 to index
        %swap3A_68 = arith.constant 0 : index
        %swap3A_69 = vector.load %arg6[%swap3A, %swap3A_68] : memref<1536x768xf32, #tpu.memory_space<vmem>>, vector<16x768xf32>
        tpu.vector_store %arg6[%swap3A, %swap3A_68], %mul3A_67 {strides = array<i32>} : memref<1536x768xf32, #tpu.memory_space<vmem>>, vector<16x768xf32>,
        %while3A_70 = arith.constant 0 : i32
        scf.yield %while3A_70 : i32
      }
      %while3A_33 = arith.constant 1 : i32
      %while3A_34 = scf.for %while3A_35 = %while3A_30 to %while3A_26 step %while3A_33 iter_args(%while3A_36 = %while3A_32) -> (i32)  : i32 {
        %mul3A_37 = arith.constant 16 : i32
        %mul3A_38 = arith.muli %while3A_35, %mul3A_37 : i32
        %add3A_39 = arith.addi %get3A_14, %mul3A_38 : i32
        %multiple_of3A = tpu.assume_multiple %add3A_39, 16 : i32
        %get3A_40 = arith.index_cast %multiple_of3A : i32 to index
        %get3A_41 = arith.constant 0 : index
        %get3A_42 = vector.load %arg2[%get3A_40, %get3A_41] : memref<1536x768xf32, #tpu.memory_space<vmem>>, vector<16x768xf32>
        %get3A_43 = arith.constant 1 : index
        %get3A_44 = arith.constant 0 : index
        %get3A_45 = arith.constant 0 : index
        %get3A_46 = vector.load %arg3[%get3A_43, %get3A_44, %get3A_45] : memref<2x1536x768xf32, #tpu.memory_space<vmem>>, vector<1x1536x768xf32>
        %get3A_47 = vector.shape_cast %get3A_46 : vector<1x1536x768xf32> to vector<1536x768xf32>
        %dot_general3A = arith.constant dense<0.000000e+00> : vector<16x1536xf32>
        %dot_general3A_48 = tpu.matmul %get3A_42, %get3A_47, %dot_general3A {dimension_numbers = #tpu.dot_dimension_numbers<[1], [1], [0], [0], [0, 0, 1, 0], [], []>, transpose_lhs_hint = false} : vector<16x768xf32>, vector<1536x768xf32>, vector<16x1536xf32> -> vector<16x1536xf32>
        %slice3A = vector.extract_strided_slice %dot_general3A_48 {offsets = [0, 0], sizes = [16, 768], strides = [1, 1]} : vector<16x1536xf32> to vector<16x768xf32>
        %neg3A = arith.constant 0.000000e+00 : f32
        %neg3A_49 = vector.broadcast %neg3A : f32 to vector<16x768xf32>
        %neg3A_50 = arith.subf %neg3A_49, %slice3A : vector<16x768xf32>
        %exp3A = math.exp %neg3A_50 : vector<16x768xf32>
        %add3A_51 = arith.constant 1.000000e+00 : f32
        %add3A_52 = vector.broadcast %add3A_51 : f32 to vector<16x768xf32>
        %add3A_53 = arith.addf %add3A_52, %exp3A : vector<16x768xf32>
        %div3A = arith.divf %slice3A, %add3A_53 : vector<16x768xf32>
        %slice3A_54 = vector.extract_strided_slice %dot_general3A_48 {offsets = [0, 768], sizes = [16, 768], strides = [1, 1]} : vector<16x1536xf32> to vector<16x768xf32>
        %mul3A_55 = arith.mulf %div3A, %slice3A_54 : vector<16x768xf32>
        %get3A_56 = arith.constant 1 : index
        %get3A_57 = arith.constant 0 : index
        %get3A_58 = arith.constant 0 : index
        %get3A_59 = vector.load %arg4[%get3A_56, %get3A_57, %get3A_58] : memref<2x768x768xf32, #tpu.memory_space<vmem>>, vector<1x768x768xf32>
        %get3A_60 = vector.shape_cast %get3A_59 : vector<1x768x768xf32> to vector<768x768xf32>
        %dot_general3A_61 = arith.constant dense<0.000000e+00> : vector<16x768xf32>
        %dot_general3A_62 = tpu.matmul %mul3A_55, %get3A_60, %dot_general3A_61 {dimension_numbers = #tpu.dot_dimension_numbers<[1], [1], [0], [0], [0, 0, 1, 0], [], []>, transpose_lhs_hint = false} : vector<16x768xf32>, vector<768x768xf32>, vector<16x768xf32> -> vector<16x768xf32>
        %get3A_63 = arith.index_cast %multiple_of3A : i32 to index
        %get3A_64 = arith.constant 0 : index
        %get3A_65 = vector.load %arg5[%get3A_63, %get3A_64] : memref<1536x128xf32, #tpu.memory_space<vmem>>, vector<16x1xf32>
        %mul3A_66 = vector.broadcast %get3A_65 : vector<16x1xf32> to vector<16x768xf32>
        %mul3A_67 = arith.mulf %dot_general3A_62, %mul3A_66 : vector<16x768xf32>
        %swap3A = arith.index_cast %multiple_of3A : i32 to index
        %swap3A_68 = arith.constant 0 : index
        %swap3A_69 = vector.load %arg6[%swap3A, %swap3A_68] : memref<1536x768xf32, #tpu.memory_space<vmem>>, vector<16x768xf32>
        tpu.vector_store %arg6[%swap3A, %swap3A_68], %mul3A_67 {strides = array<i32>} : memref<1536x768xf32, #tpu.memory_space<vmem>>, vector<16x768xf32>,
        %while3A_70 = arith.constant 0 : i32
        scf.yield %while3A_70 : i32
      }
    } else {
    }
    return
  }
  func.func @transform_0(%arg0: i32, %arg1: memref<128xi32, #tpu.memory_space<smem>>) -> (i32, i32) {
    %c0_i32 = arith.constant 0 : i32
    %c0_i32_0 = arith.constant 0 : i32
    %c0_i32_1 = arith.constant 0 : i32
    return %c0_i32, %c0_i32_0 : i32, i32
  }
  func.func @transform_1(%arg0: i32, %arg1: memref<128xi32, #tpu.memory_space<smem>>) -> (i32, i32, i32) {
    %c0_i32 = arith.constant 0 : i32
    %c0_i32_0 = arith.constant 0 : i32
    %c0_i32_1 = arith.constant 0 : i32
    return %arg0, %c0_i32, %c0_i32_0 : i32, i32, i32
  }
  func.func @transform_2(%arg0: i32, %arg1: memref<128xi32, #tpu.memory_space<smem>>) -> (i32, i32, i32) {
    %c0_i32 = arith.constant 0 : i32
    %c0_i32_0 = arith.constant 0 : i32
    %c0_i32_1 = arith.constant 0 : i32
    return %arg0, %c0_i32, %c0_i32_0 : i32, i32, i32
  }
  func.func @transform_3(%arg0: i32, %arg1: memref<128xi32, #tpu.memory_space<smem>>) -> (i32, i32) {
    %c0_i32 = arith.constant 0 : i32
    %c0_i32_0 = arith.constant 0 : i32
    %c0_i32_1 = arith.constant 0 : i32
    return %c0_i32, %c0_i32_0 : i32, i32
  }
  func.func @transform_4(%arg0: i32, %arg1: memref<128xi32, #tpu.memory_space<smem>>) -> (i32, i32) {
    %c0_i32 = arith.constant 0 : i32
    %c0_i32_0 = arith.constant 0 : i32
    %c0_i32_1 = arith.constant 0 : i32
    return %c0_i32, %c0_i32_0 : i32, i32
  }
}

module attributes {stable_mosaic.version = 14 : i64} {
  func.func @body(%arg0: i32, %arg1: memref<512x1xi32, #tpu.memory_space<vmem>>, %arg2: memref<1x512xi32, #tpu.memory_space<vmem>>, %arg3: memref<128x1xi32, #tpu.memory_space<vmem>>, %arg4: memref<512x1xi32, #tpu.memory_space<vmem>>) attributes {dimension_semantics = [#tpu.dimension_semantics<arbitrary>], iteration_bounds = array<i64: 1>, scalar_prefetch = 0 : i64, scratch_operands = 0 : i64, tpu.core_type = #tpu.core_type<tc>, window_params = [{pipeline_mode = #tpu.pipeline_mode<synchronous>, transform_indices = @transform_0, window_bounds = array<i64: 512, 1>}, {pipeline_mode = #tpu.pipeline_mode<synchronous>, transform_indices = @transform_1, window_bounds = array<i64: 1, 512>}, {pipeline_mode = #tpu.pipeline_mode<synchronous>, transform_indices = @transform_2, window_bounds = array<i64: 128, 1>}, {pipeline_mode = #tpu.pipeline_mode<synchronous>, transform_indices = @transform_3, window_bounds = array<i64: 512, 1>}]} {
    %get3A = arith.constant 0 : index
    %get3A_0 = arith.constant 0 : index
    %get3A_1 = vector.load %arg1[%get3A, %get3A_0] : memref<512x1xi32, #tpu.memory_space<vmem>>, vector<512x1xi32>
    %get3A_2 = arith.constant 0 : index
    %get3A_3 = arith.constant 0 : index
    %get3A_4 = vector.load %arg2[%get3A_2, %get3A_3] : memref<1x512xi32, #tpu.memory_space<vmem>>, vector<1x512xi32>
    %iota3A = tpu.iota {dimensions = array<i32: 0>} : vector<64x512xi32>
    %eq3A = vector.broadcast %get3A_4 : vector<1x512xi32> to vector<64x512xi32>
    %eq3A_5 = arith.cmpi eq, %iota3A, %eq3A : vector<64x512xi32>
    %convert_element_type3A = arith.extui %eq3A_5 : vector<64x512xi1> to vector<64x512xi32>
    %convert_element_type3A_6 = arith.sitofp %convert_element_type3A : vector<64x512xi32> to vector<64x512xf32>
    %reduce_sum3A = arith.constant dense<0.000000e+00> : vector<64xf32>
    %reduce_sum3A_7 = vector.multi_reduction <add>, %convert_element_type3A_6, %reduce_sum3A [1] : vector<64x512xf32> to vector<64xf32>
    %broadcast_in_dim3A = vector.shape_cast %reduce_sum3A_7 : vector<64xf32> to vector<64x1xf32>
    %mul3A = arith.constant 6.250000e-02 : f32
    %mul3A_8 = vector.broadcast %mul3A : f32 to vector<64x1xf32>
    %mul3A_9 = arith.mulf %broadcast_in_dim3A, %mul3A_8 : vector<64x1xf32>
    %ceil3A = math.ceil %mul3A_9 : vector<64x1xf32>
    %iota3A_10 = tpu.iota {dimensions = array<i32: 0>} : vector<64x64xi32>
    %iota3A_11 = tpu.iota {dimensions = array<i32: 1>} : vector<64x64xi32>
    %gt3A = arith.cmpi sgt, %iota3A_10, %iota3A_11 : vector<64x64xi32>
    %convert_element_type3A_12 = arith.extui %gt3A : vector<64x64xi1> to vector<64x64xi32>
    %convert_element_type3A_13 = arith.sitofp %convert_element_type3A_12 : vector<64x64xi32> to vector<64x64xf32>
    %dot_general3A = arith.constant dense<0.000000e+00> : vector<64x1xf32>
    %dot_general3A_14 = tpu.matmul %convert_element_type3A_13, %ceil3A, %dot_general3A {dimension_numbers = #tpu.dot_dimension_numbers<[1], [0], [0], [1], [0, 0, 1, 1], [], []>, transpose_lhs_hint = false} : vector<64x64xf32>, vector<64x1xf32>, vector<64x1xf32> -> vector<64x1xf32>
    %mul3A_15 = arith.constant 1.600000e+01 : f32
    %mul3A_16 = vector.broadcast %mul3A_15 : f32 to vector<64x1xf32>
    %mul3A_17 = arith.mulf %mul3A_16, %dot_general3A_14 : vector<64x1xf32>
    %iota3A_18 = tpu.iota {dimensions = array<i32: 0>} : vector<512x512xi32>
    %iota3A_19 = tpu.iota {dimensions = array<i32: 1>} : vector<512x512xi32>
    %gt3A_20 = arith.cmpi sgt, %iota3A_18, %iota3A_19 : vector<512x512xi32>
    %convert_element_type3A_21 = arith.extui %gt3A_20 : vector<512x512xi1> to vector<512x512xi32>
    %convert_element_type3A_22 = arith.sitofp %convert_element_type3A_21 : vector<512x512xi32> to vector<512x512xf32>
    %eq3A_23 = vector.broadcast %get3A_1 : vector<512x1xi32> to vector<512x512xi32>
    %eq3A_24 = vector.broadcast %get3A_4 : vector<1x512xi32> to vector<512x512xi32>
    %eq3A_25 = arith.cmpi eq, %eq3A_23, %eq3A_24 : vector<512x512xi32>
    %convert_element_type3A_26 = arith.extui %eq3A_25 : vector<512x512xi1> to vector<512x512xi32>
    %convert_element_type3A_27 = arith.sitofp %convert_element_type3A_26 : vector<512x512xi32> to vector<512x512xf32>
    %mul3A_28 = arith.mulf %convert_element_type3A_27, %convert_element_type3A_22 : vector<512x512xf32>
    %reduce_sum3A_29 = arith.constant dense<0.000000e+00> : vector<512xf32>
    %reduce_sum3A_30 = vector.multi_reduction <add>, %mul3A_28, %reduce_sum3A_29 [1] : vector<512x512xf32> to vector<512xf32>
    %broadcast_in_dim3A_31 = vector.shape_cast %reduce_sum3A_30 : vector<512xf32> to vector<512x1xf32>
    %iota3A_32 = tpu.iota {dimensions = array<i32: 1>} : vector<512x64xi32>
    %eq3A_33 = vector.broadcast %get3A_1 : vector<512x1xi32> to vector<512x64xi32>
    %eq3A_34 = arith.cmpi eq, %eq3A_33, %iota3A_32 : vector<512x64xi32>
    %convert_element_type3A_35 = arith.extui %eq3A_34 : vector<512x64xi1> to vector<512x64xi32>
    %convert_element_type3A_36 = arith.sitofp %convert_element_type3A_35 : vector<512x64xi32> to vector<512x64xf32>
    %dot_general3A_37 = arith.constant dense<0.000000e+00> : vector<512x1xf32>
    %dot_general3A_38 = tpu.matmul %convert_element_type3A_36, %mul3A_17, %dot_general3A_37 {dimension_numbers = #tpu.dot_dimension_numbers<[1], [0], [0], [1], [0, 0, 1, 1], [], []>, transpose_lhs_hint = false} : vector<512x64xf32>, vector<64x1xf32>, vector<512x1xf32> -> vector<512x1xf32>
    %add3A = arith.addf %dot_general3A_38, %broadcast_in_dim3A_31 : vector<512x1xf32>
    %add3A_39 = arith.constant 5.000000e-01 : f32
    %add3A_40 = vector.broadcast %add3A_39 : f32 to vector<512x1xf32>
    %add3A_41 = arith.addf %add3A, %add3A_40 : vector<512x1xf32>
    %convert_element_type3A_42 = arith.fptosi %add3A_41 : vector<512x1xf32> to vector<512x1xi32>
    %swap3A = arith.constant 0 : index
    %swap3A_43 = arith.constant 0 : index
    %swap3A_44 = vector.load %arg4[%swap3A, %swap3A_43] : memref<512x1xi32, #tpu.memory_space<vmem>>, vector<512x1xi32>
    tpu.vector_store %arg4[%swap3A, %swap3A_43], %convert_element_type3A_42 {strides = array<i32>} : memref<512x1xi32, #tpu.memory_space<vmem>>, vector<512x1xi32>,
    %concatenate3A = tpu.concatenate %mul3A_17, %ceil3A in 0 : vector<64x1xf32>, vector<64x1xf32> -> vector<128x1xf32>
    %add3A_45 = arith.constant 5.000000e-01 : f32
    %add3A_46 = vector.broadcast %add3A_45 : f32 to vector<128x1xf32>
    %add3A_47 = arith.addf %concatenate3A, %add3A_46 : vector<128x1xf32>
    %convert_element_type3A_48 = arith.fptosi %add3A_47 : vector<128x1xf32> to vector<128x1xi32>
    %swap3A_49 = arith.constant 0 : index
    %swap3A_50 = arith.constant 0 : index
    %swap3A_51 = vector.load %arg3[%swap3A_49, %swap3A_50] : memref<128x1xi32, #tpu.memory_space<vmem>>, vector<128x1xi32>
    tpu.vector_store %arg3[%swap3A_49, %swap3A_50], %convert_element_type3A_48 {strides = array<i32>} : memref<128x1xi32, #tpu.memory_space<vmem>>, vector<128x1xi32>,
    return
  }
  func.func @transform_0(%arg0: i32) -> (i32, i32) {
    %c0_i32 = arith.constant 0 : i32
    %c0_i32_0 = arith.constant 0 : i32
    %c0_i32_1 = arith.constant 0 : i32
    return %c0_i32, %c0_i32_0 : i32, i32
  }
  func.func @transform_1(%arg0: i32) -> (i32, i32) {
    %c0_i32 = arith.constant 0 : i32
    %c0_i32_0 = arith.constant 0 : i32
    %c0_i32_1 = arith.constant 0 : i32
    return %c0_i32, %c0_i32_0 : i32, i32
  }
  func.func @transform_2(%arg0: i32) -> (i32, i32) {
    %c0_i32 = arith.constant 0 : i32
    %c0_i32_0 = arith.constant 0 : i32
    %c0_i32_1 = arith.constant 0 : i32
    return %c0_i32, %c0_i32_0 : i32, i32
  }
  func.func @transform_3(%arg0: i32) -> (i32, i32) {
    %c0_i32 = arith.constant 0 : i32
    %c0_i32_0 = arith.constant 0 : i32
    %c0_i32_1 = arith.constant 0 : i32
    return %c0_i32, %c0_i32_0 : i32, i32
  }
}

</mosaic_0001>

<sc_bundles>
// kernel: kernel.6.cloned.1.call-start
scs
__scs_entry_jumppad:
0x0: {  	(pc) =	sbr.rel $0x88, $3  }
0x1: {  	(tag) =	ssettag $0x0;
	lr =	simm.s32 $0x1  }
0x2: {  	[smem:$0x3F9C] =	sst lr;
	_ =	strace $0xD0000000  }
0x3: {  	_ = 	snop  }
0x4: {  	_ = 	snop  }
0x5: {  	_ = 	snop  }
0x6: {  	_ = 	snop  }
0x7: {  	_ = 	snop  }
__scs_overlays_trampoline_lowered:
0x8: {  	[smem:$0x3FAB] =	sst s0  }
0x9: {  	[smem:$0x3FAC] =	sst s1  }
0xa: {  	[smem:$0x3FAD] =	sst s2  }
0xb: {  	[smem:$0x3FAE] =	sst s3  }
0xc: {  	[smem:$0x3FAF] =	sst s4  }
0xd: {  	[smem:$0x3FB0] =	sst s5  }
0xe: {  	[smem:$0x3FB1] =	sst s6  }
0xf: {  	[smem:$0x3FB2] =	sst s7  }
0x10: {  	[smem:$0x3FB3] =	sst s8  }
0x11: {  	[smem:$0x3FB4] =	sst s9;
	s0 =	simm.s32 @!p0 $0x0  }
0x12: {  	s1 =	sld [smem:$0x3F9A];
	s0 =	simm.s32 @p0 $0x1  }
0x13: {  	[smem:$0x3FB5] =	sst s0;
	s0 =	simm.s32 @!p1 $0x0  }
0x14: {  	s2 =	sld [smem:$0x3F99];
	s0 =	simm.s32 @p1 $0x1  }
0x15: {  	[smem:$0x3FB6] =	sst s0;
	s0 =	simm.s32 @!p2 $0x0  }
0x16: {  	s3 =	sld [smem:$0x3FDB];
	s0 =	simm.s32 @p2 $0x1  }
0x17: {  	s4 =	simm.s32 $0x1BF5;
	[smem:$0x3FB8] =	sst s0  }
0x18: {  	s0 =	sld [smem:$0x3F9B];
	_ =	swait.ge [sflag:s4], $0x0  }
0x19: {  	s7 =	sld [smem:$0x3F9C]  }
0x1a: {  	s8 =	sadd.s32 $0xFFFFE003, lr  }
0x1b: {  	s9 =	sadd.s32 $0xFFFFFEF7, lr;
	s5 =	simm.s32 $0xFFFFFFFF;
	p2 =	slt.u32 s8, $0xFFFFF086  }
0x1c: {  	p1 =	slt.u32 s9, $0xF7A;
	s5 =	simm.s32 @!p2 $0x0  }
0x1d: {  	s5 =	simm.s32 @p1 $0x1;
	p0 =	seq.s32 s7, s2  }
0x1e: {  	s7 =	smul.u32 @!p0 $0xF7A, s2;
	p2 =	seq.s32 @!p0 s5, $0x0  }
0x1f: {  	s9 =	smul.u32 $0xF7A, s1;
	s8 =	simm.s32 @!p0 $0x1BF5;
	p2 =	por !p2, p0  }
0x20: {  	[sflag:s8] =	ssyncset.s32 @!p0 $0xFFFFF086;
	s6 =	sadd.s32 @!p0 s3, s7;
	s7 =	simm.s32 @!p0 $0x108  }
0x21: {  	s3 =	sadd.s32 s3, s9;
	s6 =	sadd.s32 @!p0 $0x88, s6;
	s7 =	simm.s32 @p2 $0x1082  }
0x22: {  	[simem:s7], [sflag:s8] =	dma.local @!p0 [hbm:s6], $0xF7A  }
0x23: {  	s9 =	sor.u32 $0xD0000000, s2;
	s6 =	simm.s32 $0x108;
	_ =	swait.ge @!p0 [sflag:s8], $0x0  }
0x24: {  	s3 =	sadd.s32 $0x88, s3;
	s6 =	simm.s32 @!p1 $0x1082;
	[sflag:s4] =	ssyncset.s32 $0xFFFFF086  }
0x25: {  	[simem:s6], [sflag:s4] =	dma.local [hbm:s3], $0xF7A  }
0x26: {  	[smem:$0x3F9C] =	sst s1;
	(tag) =	ssettag s2;
	_ =	strace s9  }
0x27: {  	s1 =	sld [smem:$0x3FAC]  }
0x28: {  	s2 =	sld [smem:$0x3FAD]  }
0x29: {  	s4 =	sld [smem:$0x3FAF]  }
0x2a: {  	p0 =	seq.s32 s5, $0x0;
	s5 =	sld [smem:$0x3FB0]  }
0x2b: {  	s6 =	sld [smem:$0x3FB1]  }
0x2c: {  	s7 =	sld [smem:$0x3FB2]  }
0x2d: {  	s3 =	simm.s32 $0x108;
	s8 =	sld [smem:$0x3FB3]  }
0x2e: {  	s3 =	simm.s32 @!p0 $0x1082;
	s9 =	sld [smem:$0x3FB4]  }
0x2f: {  	lr =	sadd.s32 s0, s3;
	s0 =	sld [smem:$0x3FAB]  }
0x30: {  	s3 =	sld [smem:$0x3FAE]  }
0x31: {  	[smem:$0x3FB7] =	sst s10  }
0x32: {  	s10 =	sld [smem:$0x3FB5];
	_ =	sdelay $0x3  }
0x33: {  	p0 =	seq.s32 s10, $0x1;
	s10 =	sld [smem:$0x3FB7];
	_ =	sdelay $0x3  }
0x34: {  	[smem:$0x3FB7] =	sst s10  }
0x35: {  	s10 =	sld [smem:$0x3FB6];
	_ =	sdelay $0x3  }
0x36: {  	p1 =	seq.s32 s10, $0x1;
	s10 =	sld [smem:$0x3FB7];
	_ =	sdelay $0x3  }
0x37: {  	[smem:$0x3FB7] =	sst s10  }
0x38: {  	s10 =	sld [smem:$0x3FB8]  }
0x39: {  	_ = 	snop;
	(pc) =	sbr.ind lr, $3  }
0x3a: {  	_ = 	snop  }
0x3b: {  	_ = 	snop  }
0x3c: {  	p2 =	seq.s32 s10, $0x1;
	s10 =	sld [smem:$0x3FB7]  }
0x3d: {  	_ =	shalt  }
0x3e: {  	_ =	shalt  }
0x3f: {  	_ =	shalt  }
0x40: {  	_ =	shalt  }
0x41: {  	_ =	shalt  }
0x42: {  	_ =	shalt  }
0x43: {  	_ =	shalt  }
0x44: {  	_ =	shalt  }
0x45: {  	_ =	shalt  }
0x46: {  	_ =	shalt  }
0x47: {  	_ =	shalt  }
0x48: {  	_ =	shalt  }
0x49: {  	_ =	shalt  }
0x4a: {  	_ =	shalt  }
0x4b: {  	_ =	shalt  }
0x4c: {  	_ =	shalt  }
0x4d: {  	_ =	shalt  }
0x4e: {  	_ =	shalt  }
0x4f: {  	_ =	shalt  }
0x50: {  	_ =	shalt  }
0x51: {  	_ =	shalt  }
0x52: {  	_ =	shalt  }
0x53: {  	_ =	shalt  }
0x54: {  	_ =	shalt  }
0x55: {  	_ =	shalt  }
0x56: {  	_ =	shalt  }
0x57: {  	_ =	shalt  }
0x58: {  	_ =	shalt  }
0x59: {  	_ =	shalt  }
0x5a: {  	_ =	shalt  }
0x5b: {  	_ =	shalt  }
0x5c: {  	_ =	shalt  }
0x5d: {  	_ =	shalt  }
0x5e: {  	_ =	shalt  }
0x5f: {  	_ =	shalt  }
0x60: {  	_ =	shalt  }
0x61: {  	_ =	shalt  }
0x62: {  	_ =	shalt  }
0x63: {  	_ =	shalt  }
0x64: {  	_ =	shalt  }
0x65: {  	_ =	shalt  }
0x66: {  	_ =	shalt  }
0x67: {  	_ =	shalt  }
0x68: {  	_ =	shalt  }
0x69: {  	_ =	shalt  }
0x6a: {  	_ =	shalt  }
0x6b: {  	_ =	shalt  }
0x6c: {  	_ =	shalt  }
0x6d: {  	_ =	shalt  }
0x6e: {  	_ =	shalt  }
0x6f: {  	_ =	shalt  }
0x70: {  	_ =	shalt  }
0x71: {  	_ =	shalt  }
0x72: {  	_ =	shalt  }
0x73: {  	_ =	shalt  }
0x74: {  	_ =	shalt  }
0x75: {  	_ =	shalt  }
0x76: {  	_ =	shalt  }
0x77: {  	_ =	shalt  }
0x78: {  	_ =	shalt  }
0x79: {  	_ =	shalt  }
0x7a: {  	_ =	shalt  }
0x7b: {  	_ =	shalt  }
0x7c: {  	_ =	shalt  }
0x7d: {  	_ =	shalt  }
0x7e: {  	_ =	shalt  }
0x7f: {  	_ =	shalt  }
0x80: {  	_ =	shalt  }
0x81: {  	_ =	shalt  }
0x82: {  	_ =	shalt  }
0x83: {  	_ =	shalt  }
0x84: {  	_ =	shalt  }
0x85: {  	_ =	shalt  }
0x86: {  	_ =	shalt  }
0x87: {  	_ =	shalt  }
.Lfunc_end0:
.L_simem_size_0:
called_computation_lowered:
.L_overlay_start_0:
0x88: {  	s2 =	sld [smem:$0x3FD9]  }
0x89: {  	s3 =	sld [smem:$0x3FFE];
	_ =	sdelay $0x1  }
0x8a: {  	s1 =	srdreg.scid  }
0x8b: {  	s0 =	sand.u32 $0x1, s1  }
0x8c: {  	s17 =	sshll.u32 s0, $0xA;
	s2 =	sadd.s32 s3, s2  }
0x8d: {  	s2 =	sadd.s32 s2, s17  }
0x8e: {  	[smem:$0x3FC3] =	sst s2  }
0x8f: {  	_ = 	snop  }
0x90: {  	s2 =	sld [smem:$0x3FC9]  }
0x91: {  	s18 =	sld [smem:$0x3FD0];
	(tm) =	ssettm $0x1  }
0x92: {  	s4 =	sld [smem:$0x3FFB];
	_ =	sdelay $0x3  }
0x93: {  	_ =	strace s4  }
0x94: {  	s4 =	sld [smem:$0x3FFC];
	_ =	sdelay $0x3  }
0x95: {  	_ =	strace s4  }
0x96: {  	s4 =	sld [smem:$0x3FFD];
	_ =	sdelay $0x3  }
0x97: {  	_ =	strace s4  }
0x98: {  	_ =	strace $0x8FFFFFFF  }
0x99: {  	s19 =	sld [smem:$0x3FDB];
	_ =	sdelay $0x1  }
0x9a: {  	s5 =	simm.s32 $_scs_section_size  }
0x9b: {  	s6 =	simm.s32 $_size__tile_overlayer_lowered;
	s7 =	simm.s32 $_tile_overlayer_lowered  }
0x9c: {  	s22 =	simm.s32 $0x1BFF;
	s21 =	sshll.u32 s7, $0x1;
	s4 =	sadd.s32 s5, s19  }
0x9d: {  	s8 =	simm.s32 $0x0;
	s20 =	sshll.u32 s6, $0x1;
	s6 =	sadd.s32 s21, s4  }
0x9e: {  	[timem:s8], [sflag:s22] =	dma.local [hbm:s6], s20  }
0x9f: {  	_ =	swait.ge [sflag:s22], s20  }
0xa0: {  	s5 =	ssub.s32 $0x0, s20;
	[sflag:s22] =	ssyncset.done $0x0  }
0xa1: {  	[sflag:s22] =	ssyncadd.s32 s5;
	_ =	sdelay $0x1  }
0xa2: {  	s23 =	simm.s32 $0x1B8B  }
0xa3: {  	_ =	swait.ge [sflag:s23], $0x1  }
0xa4: {  	[sflag:s23] =	ssyncset.done $0x0  }
0xa5: {  	s25 =	simm.s32 $0x1B8E;
	s24 =	sld [smem:$0x3FFE];
	[sflag:s23] =	ssyncadd.s32 $0xFFFFFFFF  }
0xa6: {  	s26 =	simm.s32 $execute0_lowered;
	[smem:$0x3FD2] =	sst s25  }
0xa7: {  	s6 =	sshll.u32 s26, $0x1;
	_ =	strace $0x80000046;
	[dreg:$0x1] =	wrdreg $0xFFFFFFFF  }
0xa8: {  	s28 =	simm.s32 $_size_execute0_lowered;
	s4 =	sadd.s32 s4, s6;
	[dreg:$0x0] =	wrdreg $0x0  }
0xa9: {  	s6 =	sshll.u32 s28, $0x1;
	[dreg:$0x2] =	wrdreg s4  }
0xaa: {  	[dreg:$0x3] =	wrdreg s6  }
0xab: {  	[dreg:$0x4] =	wrdreg $0xC0  }
0xac: {  	_ =	task [dreg:s8], $0x5FFFF  }
0xad: {  	[dreg:$0x1] =	wrdreg $0xFFFFFFFF  }
0xae: {  	[dreg:$0x0] =	wrdreg $0x60  }
0xaf: {  	[dreg:$0x2] =	wrdreg s2  }
0xb0: {  	[dreg:$0x3] =	wrdreg s24  }
0xb1: {  	[dreg:$0x4] =	wrdreg s18  }
0xb2: {  	[dreg:$0x5] =	wrdreg $0x9  }
0xb3: {  	_ =	task.clear_ibuf [dreg:s8], $0x6FFFF;
	_ =	strace $0x90000046  }
0xb4: {  	s29 =	simm.s32 $0x9;
	_ =	strace $0x80000048  }
0xb5: {  	_ =	swait.ge [sflag:s29], $0x1  }
0xb6: {  	[sflag:s29] =	ssyncadd.s32 $0xFFFFFFFF  }
0xb7: {  	_ =	strace $0x90000048  }
0xb8: {  	_ =	sfence  }
0xb9: {  	s30 =	sld [smem:$0x0];
	_ =	sdelay $0x2  }
0xba: {  	s31 =	sshll.u32 s1, $0xD;
	s1 =	sshrl.u32 s1, $0x2  }
0xbb: {  	s3 =	sand.u32 $0x4000, s31;
	s1 =	sadd.s32 s1, s30  }
0xbc: {  	s0 =	sor.u32 s3, s0;
	s1 =	sshll.u32 s1, $0x11  }
0xbd: {  	s0 =	sor.u32 s1, s0  }
0xbe: {  	s0 =	sadd.s32 $0x8F2B, s0  }
0xbf: {  	[sflag:s0] =	ssyncadd.remote.s32 $0x1  }
0xc0: {  	_ =	sfence.sel $0xFFFF  }
0xc1: {  	[dreg:$0x0] =	wrdreg $0xFFFFFFFF;
	(pc) =	sbr.abs _section_cstart, $3  }
0xc2: {  	[dreg:$0x1] =	wrdreg $0xFFFFFFFF  }
0xc3: {  	_ =	task.clear_ibuf [dreg:s8], $0x2FFFF;
	_ =	strace $0x9FFFFFFF  }
0xc4: {  	(tm) =	ssettm $0x7FFFFFFF  }
0xc5: {  	_ =	shalt  }
tec
execute0_lowered:
.L_overlay_start_1:
0x0: {  	(tag) =	ssettag $0x1  }
0x1: {  	s4 =	rddreg [dreg:$0x0]  }
0x2: {  	s1 =	srdreg.scid;
	s0 =	stileid.u32  }
0x3: {  	s13 =	rddreg [dreg:$0x1];
	s18 =	sand.u32 $0x1, s1;
	s31 =	sshll.u32 s0, $0x1  }
0x4: {  	s2 =	rddreg [dreg:$0x2];
	s8 =	sor.u32 s18, s31  }
0x5: {  	s3 =	simm.s32 $0x0;
	s1 =	rddreg [dreg:$0x3];
	s5 =	smul.u32 $0x600, s8  }
0x6: {  	[smem:$0x7FF] =	sst s3  }
0x7: {  	_ =	strace $0x80000047;
	s4 =	sadd.s32 s4, s5;
	s5 =	simm.s32 $0x2  }
0x8: {  	[tilespmem:s3], [sflag:$0x2] =	stream.linear.gather [hbm4b:s4+s3], $0x3000, $0x38;
	[tilespmem:$0x3880] =	vst v63  }
0x9: {  	s6 =	sshll.u32 s8, $0x8;
	_ =	swait.ge [sflag:s5], $0x3000  }
0xa: {  	s6 =	sadd.s32 s6, s13;
	[sflag:s5] =	ssyncset.done $0x0  }
0xb: {  	s7 =	simm.s32 $0x3000;
	s6 =	sadd.s32 $0x1200, s6;
	[sflag:s5] =	ssyncadd.s32 $0xFFFFD000  }
0xc: {  	[tilespmem:s7], [sflag:$0x2] =	stream.linear.gather [hbm4b:s6+s3], $0x800, $0x38;
	[tilespmem:$0x3880] =	vst v63  }
0xd: {  	s8 =	sshll.u32 s8, $0x4;
	_ =	swait.ge [sflag:s5], $0x800  }
0xe: {  	s8 =	sadd.s32 s8, s13;
	[sflag:s5] =	ssyncset.done $0x0  }
0xf: {  	s9 =	simm.s32 $0x3800;
	s8 =	sadd.s32 $0x1000, s8;
	[sflag:s5] =	ssyncadd.s32 $0xFFFFF800  }
0x10: {  	[tilespmem:s9], [sflag:$0x2] =	stream.linear.gather [hbm4b:s8+s3], $0x80, $0x38;
	[tilespmem:$0x3880] =	vst v63  }
0x11: {  	_ =	swait.ge [sflag:s5], $0x80  }
0x12: {  	[sflag:s5] =	ssyncset.done $0x0  }
0x13: {  	[sflag:s5] =	ssyncadd.s32 $0xFFFFFF80  }
0x14: {  	v0 =	vld [tilespmem:$0x3800];
	_ =	sdelay $0x4  }
0x15: {  	v1 =	vshrl.u32 v0, $0x3  }
0x16: {  	v1 =	vmul.u32 $0x30, v1  }
0x17: {  	v2 =	vlaneseq.u32;
	v3 =	vand.u32 $0x7, v0  }
0x18: {  	v4 =	vshrl.u32 v2, $0x3;
	v0 =	vand.u32 $0x7, v2;
	v3 =	vor.u32 v3, v1  }
0x19: {  	v1 =	vmul.u32 $0x8, v4;
	v63 =	vperm.xlane v3, v0;
	_ =	sdelay $0x1  }
0x1a: {  	v4 =	vadd.s32 v1, v63;
	_ =	sdelay $0x2  }
0x1b: {  	v2 =	vor.u32 $0x8, v2  }
0x1c: {  	vm0 =	vmmov $0xffff;
	s10 =	sadd.s32 $0x3200, s13;
	v3 =	vperm.xlane v3, v2  }
0x1d: {  	[hbm4b:s10+s3] =	stream.indirect_vreg.scatter [tilespmem:s3], [sflag:$0x1], $0x80, v4, vm0, $0xb8;
	[tilespmem:$0x3880] =	vst v63  }
0x1e: {  	s12 =	simm.s32 $0x800;
	s11 =	sadd.s32 $0x3300, s13;
	v3 =	vadd.s32 v1, v3  }
0x1f: {  	[hbm4b:s11+s3] =	stream.indirect_vreg.scatter [tilespmem:s12], [sflag:$0x1], $0x80, v4, vm0, $0xb8;
	[tilespmem:$0x3880] =	vst v63  }
0x20: {  	s14 =	simm.s32 $0x1000;
	s20 =	ssub.s32 $0x2, s18;
	s13 =	sadd.s32 $0x3400, s13  }
0x21: {  	[hbm4b:s13+s3] =	stream.indirect_vreg.scatter [tilespmem:s14], [sflag:$0x1], $0x80, v4, vm0, $0xb8;
	[tilespmem:$0x3880] =	vst v63  }
0x22: {  	s15 =	simm.s32 $0x1800;
	s21 =	sshrl.u32 s20, $0x1  }
0x23: {  	[hbm4b:s10+s3] =	stream.indirect_vreg.scatter [tilespmem:s15], [sflag:$0x1], $0x80, v3, vm0, $0xb8;
	[tilespmem:$0x3880] =	vst v63  }
0x24: {  	s16 =	simm.s32 $0x2000;
	s20 =	ssub.s32 s20, s21  }
0x25: {  	[hbm4b:s11+s3] =	stream.indirect_vreg.scatter [tilespmem:s16], [sflag:$0x1], $0x80, v3, vm0, $0xb8;
	[tilespmem:$0x3880] =	vst v63  }
0x26: {  	s17 =	simm.s32 $0x2800;
	s20 =	smax.u32 s20, $0x1  }
0x27: {  	[hbm4b:s13+s3] =	stream.indirect_vreg.scatter [tilespmem:s17], [sflag:$0x1], $0x80, v3, vm0, $0xb8;
	[tilespmem:$0x3880] =	vst v63  }
0x28: {  	s19 =	simm.s32 $0x10;
	s18 =	simm.s32 $0x1;
	p0 =	sne.s32 s20, $0x1  }
0x29: {  	[hbm4b:s2+s19] =	stream.indirect.scatter [tilespmem:s7], [sflag:$0x1], $0x80, s9, s19, $0xb8;
	[tilespmem:$0x3880] =	vst v63  }
.Ltmp0:
0x2a: {  	_ =	swait.ge [sflag:s18], $0x3000;
	(pc) =	sbr.rel @!p0 .LBB2_2-.Ltmp0, $4  }
0x2b: {  	[sflag:s18] =	ssyncset.done $0x0  }
0x2c: {  	[sflag:s18] =	ssyncadd.s32 $0xFFFFD000  }
0x2d: {  	_ =	swait.ge [sflag:s18], $0x800  }
0x2e: {  	s20 =	sadd.s32 $0xFFFFFFFF, s20;
	[sflag:s18] =	ssyncset.done $0x0  }
.LBB2_1:
0x2f: {  	p0 =	sne.s32 s20, $0x1;
	s20 =	sadd.s32 $0xFFFFFFFF, s20;
	[sflag:s18] =	ssyncadd.s32 $0xFFFFF800  }
0x30: {  	[tilespmem:s3], [sflag:$0x2] =	stream.linear.gather [hbm4b:s4+s3], $0x3000, $0x38;
	[tilespmem:$0x3880] =	vst v63  }
0x31: {  	_ =	swait.ge [sflag:s5], $0x3000  }
0x32: {  	[sflag:s5] =	ssyncset.done $0x0  }
0x33: {  	[sflag:s5] =	ssyncadd.s32 $0xFFFFD000  }
0x34: {  	[tilespmem:s7], [sflag:$0x2] =	stream.linear.gather [hbm4b:s6+s3], $0x800, $0x38;
	[tilespmem:$0x3880] =	vst v63  }
0x35: {  	_ =	swait.ge [sflag:s5], $0x800  }
0x36: {  	[sflag:s5] =	ssyncset.done $0x0  }
0x37: {  	[sflag:s5] =	ssyncadd.s32 $0xFFFFF800  }
0x38: {  	[tilespmem:s9], [sflag:$0x2] =	stream.linear.gather [hbm4b:s8+s3], $0x80, $0x38;
	[tilespmem:$0x3880] =	vst v63  }
0x39: {  	_ =	swait.ge [sflag:s5], $0x80  }
0x3a: {  	[sflag:s5] =	ssyncset.done $0x0  }
0x3b: {  	[sflag:s5] =	ssyncadd.s32 $0xFFFFFF80  }
0x3c: {  	v3 =	vld [tilespmem:$0x3800];
	_ =	sdelay $0x4  }
0x3d: {  	v4 =	vshrl.u32 v3, $0x3  }
0x3e: {  	v4 =	vmul.u32 $0x30, v4  }
0x3f: {  	v3 =	vand.u32 $0x7, v3  }
0x40: {  	v3 =	vor.u32 v3, v4  }
0x41: {  	v4 =	vperm.xlane v3, v0;
	v3 =	vperm.xlane v3, v2;
	_ =	sdelay $0x1  }
0x42: {  	v4 =	vadd.s32 v1, v4;
	_ =	sdelay $0x4  }
0x43: {  	[hbm4b:s10+s3] =	stream.indirect_vreg.scatter [tilespmem:s3], [sflag:$0x1], $0x80, v4, vm0, $0xb8;
	[tilespmem:$0x3880] =	vst v63  }
0x44: {  	v3 =	vadd.s32 v1, v3  }
0x45: {  	[hbm4b:s11+s3] =	stream.indirect_vreg.scatter [tilespmem:s12], [sflag:$0x1], $0x80, v4, vm0, $0xb8;
	[tilespmem:$0x3880] =	vst v63  }
0x46: {  	_ = 	snop  }
0x47: {  	[hbm4b:s13+s3] =	stream.indirect_vreg.scatter [tilespmem:s14], [sflag:$0x1], $0x80, v4, vm0, $0xb8;
	[tilespmem:$0x3880] =	vst v63  }
0x48: {  	_ = 	snop  }
0x49: {  	[hbm4b:s10+s3] =	stream.indirect_vreg.scatter [tilespmem:s15], [sflag:$0x1], $0x80, v3, vm0, $0xb8;
	[tilespmem:$0x3880] =	vst v63  }
0x4a: {  	_ = 	snop  }
0x4b: {  	[hbm4b:s11+s3] =	stream.indirect_vreg.scatter [tilespmem:s16], [sflag:$0x1], $0x80, v3, vm0, $0xb8;
	[tilespmem:$0x3880] =	vst v63  }
0x4c: {  	_ = 	snop  }
0x4d: {  	[hbm4b:s13+s3] =	stream.indirect_vreg.scatter [tilespmem:s17], [sflag:$0x1], $0x80, v3, vm0, $0xb8;
	[tilespmem:$0x3880] =	vst v63  }
0x4e: {  	_ = 	snop  }
0x4f: {  	[hbm4b:s2+s19] =	stream.indirect.scatter [tilespmem:s7], [sflag:$0x1], $0x80, s9, s19, $0xb8;
	[tilespmem:$0x3880] =	vst v63  }
.Ltmp1:
0x50: {  	_ =	swait.ge [sflag:s18], $0x3000;
	(pc) =	sbr.rel @p0 .LBB2_1-.Ltmp1, $4  }
0x51: {  	[sflag:s18] =	ssyncset.done $0x0  }
0x52: {  	[sflag:s18] =	ssyncadd.s32 $0xFFFFD000  }
0x53: {  	_ =	swait.ge [sflag:s18], $0x800  }
0x54: {  	[sflag:s18] =	ssyncset.done $0x0  }
.LBB2_2:
0x55: {  	[sflag:s18] =	ssyncadd.s32 $0xFFFFF800  }
0x56: {  	_ =	sfence.sel $0x180000  }
0x57: {  	[bflag:$0x0] =	sbarrier.arrive $0xFFFF  }
0x58: {  	p0 =	sne.s32 s0, $0x0;
	_ =	strace $0x90000047  }
0x59: {  	s0 =	sadd.s32 @!p0 $0x100000, s1;
	[bflag:$0x2] =	sbarrier.arrive $0xFFFF  }
0x5a: {  	[sflag:s0] =	ssyncadd.tile.s32 @!p0 $0x1;
	_ =	shalt  }
.Lfunc_end2:
_tile_overlayer_lowered:
.L_overlay_start_2:
0x5b: {  	(tag) =	ssettag $0x2  }
0x5c: {  	s0 =	rddreg [dreg:$0x0];
	s2 =	stileid.u32  }
0x5d: {  	s1 =	rddreg [dreg:$0x1];
	p0 =	sne.s32 s2, $0x0  }
0x5e: {  	s3 =	rddreg [dreg:$0x2];
	[bflag:$0x3] =	sbarrier.arrive $0xFFFF;
	s2 =	simm.s32 @!p0 $0x1C02  }
0x5f: {  	[timem:s3], [sflag:s2] =	dma.local @!p0 [hbm:s0], s1  }
0x60: {  	s0 =	simm.s32 @!p0 $0x2  }
0x61: {  	_ =	swait.ge @!p0 [sflag:s0], s1  }
0x62: {  	s1 =	ssub.s32 @!p0 $0x0, s1;
	[sflag:s0] =	ssyncset.done @!p0 $0x0  }
0x63: {  	[sflag:s0] =	ssyncadd.s32 @!p0 s1  }
0x64: {  	[bflag:$0x3] =	sbarrier.arrive $0xFFFF  }
0x65: {  	_ =	shalt  }

// kernel: kernel.9.cloned.1.call-start
scs
__scs_entry_jumppad:
0x0: {  	(pc) =	sbr.rel $0x88, $3  }
0x1: {  	(tag) =	ssettag $0x0;
	lr =	simm.s32 $0x1  }
0x2: {  	[smem:$0x3F9C] =	sst lr;
	_ =	strace $0xD0000000  }
0x3: {  	_ = 	snop  }
0x4: {  	_ = 	snop  }
0x5: {  	_ = 	snop  }
0x6: {  	_ = 	snop  }
0x7: {  	_ = 	snop  }
__scs_overlays_trampoline_lowered:
0x8: {  	[smem:$0x3FAB] =	sst s0  }
0x9: {  	[smem:$0x3FAC] =	sst s1  }
0xa: {  	[smem:$0x3FAD] =	sst s2  }
0xb: {  	[smem:$0x3FAE] =	sst s3  }
0xc: {  	[smem:$0x3FAF] =	sst s4  }
0xd: {  	[smem:$0x3FB0] =	sst s5  }
0xe: {  	[smem:$0x3FB1] =	sst s6  }
0xf: {  	[smem:$0x3FB2] =	sst s7  }
0x10: {  	[smem:$0x3FB3] =	sst s8  }
0x11: {  	[smem:$0x3FB4] =	sst s9;
	s0 =	simm.s32 @!p0 $0x0  }
0x12: {  	s1 =	sld [smem:$0x3F9A];
	s0 =	simm.s32 @p0 $0x1  }
0x13: {  	[smem:$0x3FB5] =	sst s0;
	s0 =	simm.s32 @!p1 $0x0  }
0x14: {  	s2 =	sld [smem:$0x3F99];
	s0 =	simm.s32 @p1 $0x1  }
0x15: {  	[smem:$0x3FB6] =	sst s0;
	s0 =	simm.s32 @!p2 $0x0  }
0x16: {  	s3 =	sld [smem:$0x3FDB];
	s0 =	simm.s32 @p2 $0x1  }
0x17: {  	s4 =	simm.s32 $0x1BF5;
	[smem:$0x3FB8] =	sst s0  }
0x18: {  	s0 =	sld [smem:$0x3F9B];
	_ =	swait.ge [sflag:s4], $0x0  }
0x19: {  	s7 =	sld [smem:$0x3F9C]  }
0x1a: {  	s8 =	sadd.s32 $0xFFFFE003, lr  }
0x1b: {  	s9 =	sadd.s32 $0xFFFFFEF7, lr;
	s5 =	simm.s32 $0xFFFFFFFF;
	p2 =	slt.u32 s8, $0xFFFFF086  }
0x1c: {  	p1 =	slt.u32 s9, $0xF7A;
	s5 =	simm.s32 @!p2 $0x0  }
0x1d: {  	s5 =	simm.s32 @p1 $0x1;
	p0 =	seq.s32 s7, s2  }
0x1e: {  	s7 =	smul.u32 @!p0 $0xF7A, s2;
	p2 =	seq.s32 @!p0 s5, $0x0  }
0x1f: {  	s9 =	smul.u32 $0xF7A, s1;
	s8 =	simm.s32 @!p0 $0x1BF5;
	p2 =	por !p2, p0  }
0x20: {  	[sflag:s8] =	ssyncset.s32 @!p0 $0xFFFFF086;
	s6 =	sadd.s32 @!p0 s3, s7;
	s7 =	simm.s32 @!p0 $0x108  }
0x21: {  	s3 =	sadd.s32 s3, s9;
	s6 =	sadd.s32 @!p0 $0x88, s6;
	s7 =	simm.s32 @p2 $0x1082  }
0x22: {  	[simem:s7], [sflag:s8] =	dma.local @!p0 [hbm:s6], $0xF7A  }
0x23: {  	s9 =	sor.u32 $0xD0000000, s2;
	s6 =	simm.s32 $0x108;
	_ =	swait.ge @!p0 [sflag:s8], $0x0  }
0x24: {  	s3 =	sadd.s32 $0x88, s3;
	s6 =	simm.s32 @!p1 $0x1082;
	[sflag:s4] =	ssyncset.s32 $0xFFFFF086  }
0x25: {  	[simem:s6], [sflag:s4] =	dma.local [hbm:s3], $0xF7A  }
0x26: {  	[smem:$0x3F9C] =	sst s1;
	(tag) =	ssettag s2;
	_ =	strace s9  }
0x27: {  	s1 =	sld [smem:$0x3FAC]  }
0x28: {  	s2 =	sld [smem:$0x3FAD]  }
0x29: {  	s4 =	sld [smem:$0x3FAF]  }
0x2a: {  	p0 =	seq.s32 s5, $0x0;
	s5 =	sld [smem:$0x3FB0]  }
0x2b: {  	s6 =	sld [smem:$0x3FB1]  }
0x2c: {  	s7 =	sld [smem:$0x3FB2]  }
0x2d: {  	s3 =	simm.s32 $0x108;
	s8 =	sld [smem:$0x3FB3]  }
0x2e: {  	s3 =	simm.s32 @!p0 $0x1082;
	s9 =	sld [smem:$0x3FB4]  }
0x2f: {  	lr =	sadd.s32 s0, s3;
	s0 =	sld [smem:$0x3FAB]  }
0x30: {  	s3 =	sld [smem:$0x3FAE]  }
0x31: {  	[smem:$0x3FB7] =	sst s10  }
0x32: {  	s10 =	sld [smem:$0x3FB5];
	_ =	sdelay $0x3  }
0x33: {  	p0 =	seq.s32 s10, $0x1;
	s10 =	sld [smem:$0x3FB7];
	_ =	sdelay $0x3  }
0x34: {  	[smem:$0x3FB7] =	sst s10  }
0x35: {  	s10 =	sld [smem:$0x3FB6];
	_ =	sdelay $0x3  }
0x36: {  	p1 =	seq.s32 s10, $0x1;
	s10 =	sld [smem:$0x3FB7];
	_ =	sdelay $0x3  }
0x37: {  	[smem:$0x3FB7] =	sst s10  }
0x38: {  	s10 =	sld [smem:$0x3FB8]  }
0x39: {  	_ = 	snop;
	(pc) =	sbr.ind lr, $3  }
0x3a: {  	_ = 	snop  }
0x3b: {  	_ = 	snop  }
0x3c: {  	p2 =	seq.s32 s10, $0x1;
	s10 =	sld [smem:$0x3FB7]  }
0x3d: {  	_ =	shalt  }
0x3e: {  	_ =	shalt  }
0x3f: {  	_ =	shalt  }
0x40: {  	_ =	shalt  }
0x41: {  	_ =	shalt  }
0x42: {  	_ =	shalt  }
0x43: {  	_ =	shalt  }
0x44: {  	_ =	shalt  }
0x45: {  	_ =	shalt  }
0x46: {  	_ =	shalt  }
0x47: {  	_ =	shalt  }
0x48: {  	_ =	shalt  }
0x49: {  	_ =	shalt  }
0x4a: {  	_ =	shalt  }
0x4b: {  	_ =	shalt  }
0x4c: {  	_ =	shalt  }
0x4d: {  	_ =	shalt  }
0x4e: {  	_ =	shalt  }
0x4f: {  	_ =	shalt  }
0x50: {  	_ =	shalt  }
0x51: {  	_ =	shalt  }
0x52: {  	_ =	shalt  }
0x53: {  	_ =	shalt  }
0x54: {  	_ =	shalt  }
0x55: {  	_ =	shalt  }
0x56: {  	_ =	shalt  }
0x57: {  	_ =	shalt  }
0x58: {  	_ =	shalt  }
0x59: {  	_ =	shalt  }
0x5a: {  	_ =	shalt  }
0x5b: {  	_ =	shalt  }
0x5c: {  	_ =	shalt  }
0x5d: {  	_ =	shalt  }
0x5e: {  	_ =	shalt  }
0x5f: {  	_ =	shalt  }
0x60: {  	_ =	shalt  }
0x61: {  	_ =	shalt  }
0x62: {  	_ =	shalt  }
0x63: {  	_ =	shalt  }
0x64: {  	_ =	shalt  }
0x65: {  	_ =	shalt  }
0x66: {  	_ =	shalt  }
0x67: {  	_ =	shalt  }
0x68: {  	_ =	shalt  }
0x69: {  	_ =	shalt  }
0x6a: {  	_ =	shalt  }
0x6b: {  	_ =	shalt  }
0x6c: {  	_ =	shalt  }
0x6d: {  	_ =	shalt  }
0x6e: {  	_ =	shalt  }
0x6f: {  	_ =	shalt  }
0x70: {  	_ =	shalt  }
0x71: {  	_ =	shalt  }
0x72: {  	_ =	shalt  }
0x73: {  	_ =	shalt  }
0x74: {  	_ =	shalt  }
0x75: {  	_ =	shalt  }
0x76: {  	_ =	shalt  }
0x77: {  	_ =	shalt  }
0x78: {  	_ =	shalt  }
0x79: {  	_ =	shalt  }
0x7a: {  	_ =	shalt  }
0x7b: {  	_ =	shalt  }
0x7c: {  	_ =	shalt  }
0x7d: {  	_ =	shalt  }
0x7e: {  	_ =	shalt  }
0x7f: {  	_ =	shalt  }
0x80: {  	_ =	shalt  }
0x81: {  	_ =	shalt  }
0x82: {  	_ =	shalt  }
0x83: {  	_ =	shalt  }
0x84: {  	_ =	shalt  }
0x85: {  	_ =	shalt  }
0x86: {  	_ =	shalt  }
0x87: {  	_ =	shalt  }
.Lfunc_end0:
.L_simem_size_0:
called_computation.1_lowered:
.L_overlay_start_0:
0x88: {  	s2 =	sld [smem:$0x3FD9]  }
0x89: {  	s3 =	sld [smem:$0x3FFE];
	_ =	sdelay $0x1  }
0x8a: {  	s1 =	srdreg.scid  }
0x8b: {  	s0 =	sand.u32 $0x1, s1  }
0x8c: {  	s17 =	sshll.u32 s0, $0xA;
	s2 =	sadd.s32 s3, s2  }
0x8d: {  	s2 =	sadd.s32 s2, s17  }
0x8e: {  	[smem:$0x3FC3] =	sst s2  }
0x8f: {  	_ = 	snop  }
0x90: {  	s2 =	sld [smem:$0x3FD0];
	(tm) =	ssettm $0x1  }
0x91: {  	s18 =	sld [smem:$0x3FFB];
	_ =	sdelay $0x3  }
0x92: {  	_ =	strace s18  }
0x93: {  	s3 =	sld [smem:$0x3FFC];
	_ =	sdelay $0x3  }
0x94: {  	_ =	strace s3  }
0x95: {  	s3 =	sld [smem:$0x3FFD];
	_ =	sdelay $0x3  }
0x96: {  	_ =	strace s3  }
0x97: {  	_ =	strace $0x8FFFFFFF  }
0x98: {  	s19 =	sld [smem:$0x3FDB];
	_ =	sdelay $0x1  }
0x99: {  	s4 =	simm.s32 $_scs_section_size  }
0x9a: {  	s5 =	simm.s32 $_size__tile_overlayer_lowered;
	s6 =	simm.s32 $_tile_overlayer_lowered  }
0x9b: {  	s22 =	simm.s32 $0x1BFF;
	s21 =	sshll.u32 s6, $0x1;
	s3 =	sadd.s32 s4, s19  }
0x9c: {  	s7 =	simm.s32 $0x0;
	s20 =	sshll.u32 s5, $0x1;
	s5 =	sadd.s32 s21, s3  }
0x9d: {  	[timem:s7], [sflag:s22] =	dma.local [hbm:s5], s20  }
0x9e: {  	_ =	swait.ge [sflag:s22], s20  }
0x9f: {  	s4 =	ssub.s32 $0x0, s20;
	[sflag:s22] =	ssyncset.done $0x0  }
0xa0: {  	[sflag:s22] =	ssyncadd.s32 s4;
	_ =	sdelay $0x1  }
0xa1: {  	s23 =	simm.s32 $0x1B8B  }
0xa2: {  	_ =	swait.ge [sflag:s23], $0x1  }
0xa3: {  	[sflag:s23] =	ssyncset.done $0x0  }
0xa4: {  	s25 =	simm.s32 $0x1B8E;
	s24 =	sld [smem:$0x3FFE];
	[sflag:s23] =	ssyncadd.s32 $0xFFFFFFFF  }
0xa5: {  	s26 =	simm.s32 $execute0_lowered;
	[smem:$0x3FD2] =	sst s25  }
0xa6: {  	s5 =	sshll.u32 s26, $0x1;
	_ =	strace $0x80000049;
	[dreg:$0x1] =	wrdreg $0xFFFFFFFF  }
0xa7: {  	s28 =	simm.s32 $_size_execute0_lowered;
	s3 =	sadd.s32 s3, s5;
	[dreg:$0x0] =	wrdreg $0x0  }
0xa8: {  	s5 =	sshll.u32 s28, $0x1;
	[dreg:$0x2] =	wrdreg s3  }
0xa9: {  	[dreg:$0x3] =	wrdreg s5  }
0xaa: {  	[dreg:$0x4] =	wrdreg $0xC0  }
0xab: {  	_ =	task [dreg:s7], $0x5FFFF  }
0xac: {  	[dreg:$0x1] =	wrdreg $0xFFFFFFFF  }
0xad: {  	[dreg:$0x0] =	wrdreg $0x60  }
0xae: {  	[dreg:$0x2] =	wrdreg s24  }
0xaf: {  	[dreg:$0x3] =	wrdreg s2  }
0xb0: {  	[dreg:$0x4] =	wrdreg $0x9  }
0xb1: {  	_ =	task.clear_ibuf [dreg:s7], $0x5FFFF;
	_ =	strace $0x90000049  }
0xb2: {  	s29 =	simm.s32 $0x9;
	_ =	strace $0x8000004B  }
0xb3: {  	_ =	swait.ge [sflag:s29], $0x1  }
0xb4: {  	[sflag:s29] =	ssyncadd.s32 $0xFFFFFFFF  }
0xb5: {  	_ =	strace $0x9000004B  }
0xb6: {  	_ =	sfence  }
0xb7: {  	s30 =	sld [smem:$0x0];
	_ =	sdelay $0x2  }
0xb8: {  	s31 =	sshll.u32 s1, $0xD;
	s1 =	sshrl.u32 s1, $0x2  }
0xb9: {  	s3 =	sand.u32 $0x4000, s31;
	s1 =	sadd.s32 s1, s30  }
0xba: {  	s0 =	sor.u32 s3, s0;
	s1 =	sshll.u32 s1, $0x11  }
0xbb: {  	s0 =	sor.u32 s1, s0  }
0xbc: {  	s0 =	sadd.s32 $0x8F2B, s0  }
0xbd: {  	[sflag:s0] =	ssyncadd.remote.s32 $0x1  }
0xbe: {  	_ =	sfence.sel $0xFFFF  }
0xbf: {  	[dreg:$0x0] =	wrdreg $0xFFFFFFFF;
	(pc) =	sbr.abs _section_cstart, $3  }
0xc0: {  	[dreg:$0x1] =	wrdreg $0xFFFFFFFF  }
0xc1: {  	_ =	task.clear_ibuf [dreg:s7], $0x2FFFF;
	_ =	strace $0x9FFFFFFF  }
0xc2: {  	(tm) =	ssettm $0x7FFFFFFF  }
0xc3: {  	_ =	shalt  }
tec
execute0_lowered:
.L_overlay_start_1:
0x0: {  	(tag) =	ssettag $0x1  }
0x1: {  	s6 =	rddreg [dreg:$0x0]  }
0x2: {  	s7 =	rddreg [dreg:$0x1]  }
0x3: {  	s0 =	rddreg [dreg:$0x2];
	s3 =	srdreg.scid  }
0x4: {  	s2 =	simm.s32 $0x0;
	s1 =	stileid.u32;
	s11 =	simm.s32 $0x880  }
0x5: {  	s12 =	simm.s32 $0x1080;
	s13 =	simm.s32 $0x1880;
	s14 =	simm.s32 $0x2080  }
0x6: {  	s15 =	simm.s32 $0x2880;
	s16 =	simm.s32 $0x1;
	s3 =	sand.u32 $0x1, s3  }
0x7: {  	[smem:$0x7FF] =	sst s2;
	s4 =	sshll.u32 s1, $0x2;
	s5 =	sshll.u32 s3, $0x1  }
0x8: {  	_ =	strace $0x8000004A;
	s31 =	ssub.s32 $0x2, s3;
	s3 =	sadd.s32 $0x1000, s6  }
0x9: {  	s4 =	sor.u32 s5, s4;
	s9 =	sshrl.u32 s31, $0x1;
	s5 =	sadd.s32 $0x1100, s6  }
0xa: {  	v0 =	vlaneseq.u32;
	s8 =	sadd.s32 s4, s6;
	s10 =	smul.u32 $0x300, s4;
	s9 =	ssub.s32 s31, s9  }
0xb: {  	v1 =	vshrl.u32 v0, $0x3;
	s6 =	sadd.s32 $0x1200, s6;
	s4 =	sadd.s32 $0xE00, s8;
	s8 =	smax.u32 s9, $0x1  }
0xc: {  	vm0 =	vmmov $0xffff;
	v0 =	vand.u32 $0x7, v0;
	v1 =	vmul.u32 $0x8, v1;
	s9 =	simm.s32 $0x2;
	s7 =	sadd.s32 s7, s10;
	s10 =	simm.s32 $0x80  }
.LBB2_1:
0xd: {  	[tilespmem:s2], [sflag:$0x2] =	stream.linear.gather [hbm4b:s4+s2], $0x10, $0x38;
	[tilespmem:$0x3080] =	vst v63  }
0xe: {  	_ =	swait.ge [sflag:s9], $0x10  }
0xf: {  	[sflag:s9] =	ssyncset.done $0x0  }
0x10: {  	[sflag:s9] =	ssyncadd.s32 $0xFFFFFFF0  }
0x11: {  	v2 =	vld.msk [tilespmem:$0x0], $0xff;
	_ =	sdelay $0x4  }
0x12: {  	v3 =	vshrl.u32 v2, $0x3  }
0x13: {  	v3 =	vmul.u32 $0x30, v3  }
0x14: {  	v2 =	vand.u32 $0x7, v2  }
0x15: {  	v2 =	vor.u32 v2, v3  }
0x16: {  	v2 =	vperm.xlane v2, v0;
	_ =	sdelay $0x1  }
0x17: {  	v2 =	vadd.s32 v1, v2;
	_ =	sdelay $0x4  }
0x18: {  	[tilespmem:s10], [sflag:$0x1] =	stream.indirect_vreg.gather [hbm4b:s3+s2], $0x80, v2, vm0, $0xb8;
	[tilespmem:$0x3080] =	vst v63  }
0x19: {  	_ = 	snop  }
0x1a: {  	[tilespmem:s11], [sflag:$0x1] =	stream.indirect_vreg.gather [hbm4b:s5+s2], $0x80, v2, vm0, $0xb8;
	[tilespmem:$0x3080] =	vst v63  }
0x1b: {  	_ = 	snop  }
0x1c: {  	[tilespmem:s12], [sflag:$0x1] =	stream.indirect_vreg.gather [hbm4b:s6+s2], $0x80, v2, vm0, $0xb8;
	[tilespmem:$0x3080] =	vst v63  }
0x1d: {  	v2 =	vld.msk [tilespmem:$0x8], $0xff;
	_ =	sdelay $0x4  }
0x1e: {  	v3 =	vshrl.u32 v2, $0x3  }
0x1f: {  	v3 =	vmul.u32 $0x30, v3  }
0x20: {  	v2 =	vand.u32 $0x7, v2  }
0x21: {  	v2 =	vor.u32 v2, v3  }
0x22: {  	v2 =	vperm.xlane v2, v0;
	_ =	sdelay $0x1  }
0x23: {  	v2 =	vadd.s32 v1, v2;
	_ =	sdelay $0x4  }
0x24: {  	[tilespmem:s13], [sflag:$0x1] =	stream.indirect_vreg.gather [hbm4b:s3+s2], $0x80, v2, vm0, $0xb8;
	[tilespmem:$0x3080] =	vst v63  }
0x25: {  	_ = 	snop  }
0x26: {  	[tilespmem:s14], [sflag:$0x1] =	stream.indirect_vreg.gather [hbm4b:s5+s2], $0x80, v2, vm0, $0xb8;
	[tilespmem:$0x3080] =	vst v63  }
0x27: {  	_ = 	snop  }
0x28: {  	[tilespmem:s15], [sflag:$0x1] =	stream.indirect_vreg.gather [hbm4b:s6+s2], $0x80, v2, vm0, $0xb8;
	[tilespmem:$0x3080] =	vst v63  }
0x29: {  	_ =	swait.ge [sflag:s16], $0x1800  }
0x2a: {  	[sflag:s16] =	ssyncset.done $0x0  }
0x2b: {  	[sflag:s16] =	ssyncadd.s32 $0xFFFFE800  }
0x2c: {  	_ =	swait.ge [sflag:s16], $0x1800  }
0x2d: {  	p0 =	sne.s32 s8, $0x1;
	[sflag:s16] =	ssyncset.done $0x0  }
.Ltmp0:
0x2e: {  	[sflag:s16] =	ssyncadd.s32 $0xFFFFE800;
	(pc) =	sbr.rel @p0 .LBB2_1-.Ltmp0, $4  }
0x2f: {  	[hbm4b:s7+s2] =	stream.linear.scatter [tilespmem:s10], [sflag:$0x2], $0x3000, $0x38;
	[tilespmem:$0x3080] =	vst v63  }
0x30: {  	_ =	swait.ge [sflag:s9], $0x3000  }
0x31: {  	[sflag:s9] =	ssyncset.done $0x0  }
0x32: {  	s8 =	sadd.s32 $0xFFFFFFFF, s8;
	[sflag:s9] =	ssyncadd.s32 $0xFFFFD000  }
0x33: {  	_ =	sfence.sel $0x180000  }
0x34: {  	[bflag:$0x0] =	sbarrier.arrive $0xFFFF  }
0x35: {  	p0 =	sne.s32 s1, $0x0;
	_ =	strace $0x9000004A  }
0x36: {  	s0 =	sadd.s32 @!p0 $0x100000, s0;
	[bflag:$0x2] =	sbarrier.arrive $0xFFFF  }
0x37: {  	[sflag:s0] =	ssyncadd.tile.s32 @!p0 $0x1;
	_ =	shalt  }
.Lfunc_end2:
_tile_overlayer_lowered:
.L_overlay_start_2:
0x38: {  	(tag) =	ssettag $0x2  }
0x39: {  	s0 =	rddreg [dreg:$0x0];
	s2 =	stileid.u32  }
0x3a: {  	s1 =	rddreg [dreg:$0x1];
	p0 =	sne.s32 s2, $0x0  }
0x3b: {  	s3 =	rddreg [dreg:$0x2];
	[bflag:$0x3] =	sbarrier.arrive $0xFFFF;
	s2 =	simm.s32 @!p0 $0x1C02  }
0x3c: {  	[timem:s3], [sflag:s2] =	dma.local @!p0 [hbm:s0], s1  }
0x3d: {  	s0 =	simm.s32 @!p0 $0x2  }
0x3e: {  	_ =	swait.ge @!p0 [sflag:s0], s1  }
0x3f: {  	s1 =	ssub.s32 @!p0 $0x0, s1;
	[sflag:s0] =	ssyncset.done @!p0 $0x0  }
0x40: {  	[sflag:s0] =	ssyncadd.s32 @!p0 s1  }
0x41: {  	[bflag:$0x3] =	sbarrier.arrive $0xFFFF  }
0x42: {  	_ =	shalt  }

</sc_bundles>
